<compile_context>
chip_gen: v7x
topology: tpu7x:2x2x1
jax: 0.10.2.dev20260603
libtpu: 0.0.44.dev20260713+nightly
codegen_flags: <defaults>
</compile_context>

<pallas_src>
import jax
import jax.numpy as jnp
from jax import lax
from jax.experimental import pallas as pl
from jax.experimental.pallas import tpu as pltpu
from jax.experimental.pallas import tpu_sc as plsc

_N = 10000
_E = 320000
_DH = 16
_DO = 20
_NS = 16
_BLK = 1024
_NBLK = 20
_EPAD = _NS * _NBLK * _BLK
_N1 = 10240
_NSUB = _N1 // _NS

_MESH = plsc.VectorSubcoreMesh(
    core_axis_name="c", subcore_axis_name="s",
    num_cores=1, num_subcores=_NS)

_SC_PARAMS = pltpu.CompilerParams(use_tc_tiling_on_sc=False,
                                  needs_layout_passes=False)

_RSQRT_MAGIC = 0x5F3759DF


def _mega_body(h1_hbm, sdidx_hbm, zmat_hbm, ones_hbm, b1_hbm,
               agg2_hbm, z1s_hbm, dism_hbm,
               sidx_v, didx_v, bufa, bufb, hbuf, dmbuf, b1buf,
               agg_sh, gst_sh, sema, semb):
    s = lax.axis_index("s")
    sub = pl.ds(s * _NSUB, _NSUB)
    pltpu.sync_copy(zmat_hbm, agg_sh.at[sub])
    pltpu.sync_copy(sdidx_hbm.at[s], didx_v)
    pltpu.sync_copy(ones_hbm, bufa)
    pltpu.sync_copy(b1_hbm, b1buf)

    def unpack(i, carry):
        j = i // (_BLK // 16)
        k = (i % (_BLK // 16)) * 16
        w = didx_v[j, pl.ds(k, 16)]
        sidx_v[j, pl.ds(k, 16)] = jnp.bitwise_and(w, 0xFFFF)
        didx_v[j, pl.ds(k, 16)] = lax.shift_right_logical(w, 16)
        return carry

    lax.fori_loop(0, _NBLK * _BLK // 16, unpack, 0)
    plsc.subcore_barrier()

    def deg_sweep(j, carry):
        pltpu.sync_copy(bufa, agg_sh.at[didx_v.at[j]], add=True)
        return carry

    lax.fori_loop(0, _NBLK, deg_sweep, 0)
    plsc.subcore_barrier()

    abuf = bufa.at[pl.ds(0, _NSUB)]
    gbuf = bufb.at[pl.ds(0, _NSUB)]
    pltpu.sync_copy(agg_sh.at[sub], gbuf)
    pltpu.sync_copy(h1_hbm.at[sub], abuf)

    def rows_dis(r, carry):
        deg = gbuf[r, :] + 1.0
        y = plsc.bitcast(deg, jnp.int32)
        y = jnp.full((_DH,), _RSQRT_MAGIC, jnp.int32) - (y >> 1)
        f = plsc.bitcast(y, jnp.float32)
        f = f * (1.5 - 0.5 * deg * f * f)
        f = f * (1.5 - 0.5 * deg * f * f)
        dmbuf[r, :] = f
        hbuf[r, :] = abuf[r, :] * f
        return carry

    lax.fori_loop(0, _NSUB, rows_dis, 0)
    pltpu.sync_copy(hbuf, gst_sh.at[sub])
    pltpu.sync_copy(dmbuf, dism_hbm.at[sub])
    pltpu.sync_copy(zmat_hbm, agg_sh.at[sub])
    plsc.subcore_barrier()

    def edge_sweep():
        pltpu.async_copy(gst_sh.at[sidx_v.at[0]], bufa, sema)

        def body(i, carry):
            ja = 2 * i
            jb = ja + 1
            pltpu.async_copy(gst_sh.at[sidx_v.at[jb]], bufb, semb)
            pltpu.make_async_copy(gst_sh.at[sidx_v.at[ja]], bufa, sema).wait()
            pltpu.sync_copy(bufa, agg_sh.at[didx_v.at[ja]], add=True)

            @pl.when(i < _NBLK // 2 - 1)
            def _():
                pltpu.async_copy(gst_sh.at[sidx_v.at[jb + 1]], bufa, sema)

            pltpu.make_async_copy(gst_sh.at[sidx_v.at[jb]], bufb, semb).wait()
            pltpu.sync_copy(bufb, agg_sh.at[didx_v.at[jb]], add=True)
            return carry

        lax.fori_loop(0, _NBLK // 2, body, 0)

    edge_sweep()
    plsc.subcore_barrier()

    pltpu.sync_copy(agg_sh.at[sub], abuf)
    b1v = b1buf[0, :]

    def rows_z(r, carry):
        a = abuf[r, :] + hbuf[r, :]
        d = dmbuf[r, :]
        hbuf[r, :] = jnp.maximum(a * d + b1v, 0.0) * d
        return carry

    lax.fori_loop(0, _NSUB, rows_z, 0)
    pltpu.sync_copy(hbuf, gst_sh.at[sub])
    pltpu.sync_copy(hbuf, z1s_hbm.at[sub])
    pltpu.sync_copy(zmat_hbm, agg_sh.at[sub])
    plsc.subcore_barrier()

    edge_sweep()
    plsc.subcore_barrier()
    pltpu.sync_copy(agg_sh.at[sub], agg2_hbm.at[sub])


_mega_call = pl.kernel(
    _mega_body,
    out_type=[
        jax.ShapeDtypeStruct((_N1, _DH), jnp.float32),
        jax.ShapeDtypeStruct((_N1, _DH), jnp.float32),
        jax.ShapeDtypeStruct((_N1, _DH), jnp.float32),
    ],
    mesh=_MESH,
    compiler_params=_SC_PARAMS,
    scratch_types=[
        pltpu.VMEM((_NBLK, _BLK), jnp.int32),
        pltpu.VMEM((_NBLK, _BLK), jnp.int32),
        pltpu.VMEM((_BLK, _DH), jnp.float32),
        pltpu.VMEM((_BLK, _DH), jnp.float32),
        pltpu.VMEM((_NSUB, _DH), jnp.float32),
        pltpu.VMEM((_NSUB, _DH), jnp.float32),
        pltpu.VMEM((1, _DH), jnp.float32),
        pltpu.MemorySpace.VMEM_SHARED((_N1, _DH), jnp.float32),
        pltpu.MemorySpace.VMEM_SHARED((_N1, _DH), jnp.float32),
        pltpu.SemaphoreType.DMA,
        pltpu.SemaphoreType.DMA,
    ],
)


def _tc_a_body(x_ref, w1_ref, h1_ref):
    h = jnp.dot(x_ref[...], w1_ref[...], preferred_element_type=jnp.float32,
                precision=lax.Precision.HIGHEST)
    h1_ref[: _N, :] = h
    h1_ref[_N:, :] = jnp.zeros((_N1 - _N, _DH), jnp.float32)


_tc_a = pl.pallas_call(
    _tc_a_body,
    out_shape=jax.ShapeDtypeStruct((_N1, _DH), jnp.float32),
)


def _tc_e_body(aggp_ref, z1s_ref, dism_ref, w2_ref, b2_ref, out_ref):
    agg = aggp_ref[: _N, :] + z1s_ref[: _N, :]
    h = jnp.dot(agg, w2_ref[...], preferred_element_type=jnp.float32,
                precision=lax.Precision.HIGHEST)
    h = h * dism_ref[: _N, 0:1] + b2_ref[...]
    m = jnp.max(h, axis=1, keepdims=True)
    lse = m + jnp.log(jnp.sum(jnp.exp(h - m), axis=1, keepdims=True))
    out_ref[...] = h - lse


_tc_e = pl.pallas_call(
    _tc_e_body,
    out_shape=jax.ShapeDtypeStruct((_N, _DO), jnp.float32),
)


def kernel(x, edge_index, W1, b1, W2, b2):
    src = edge_index[0]
    dst = edge_index[1]
    pad = _EPAD - _E
    src_p = jnp.concatenate([src, jnp.zeros((pad,), jnp.int32)])
    dst_p = jnp.concatenate([dst, jnp.full((pad,), _N, jnp.int32)])
    sdidx = (src_p | (dst_p << 16)).reshape(_NS, _NBLK, _BLK)
    ones_blk = jnp.ones((_BLK, _DH), jnp.float32)
    zmat = jnp.zeros((_NSUB, _DH), jnp.float32)

    h1 = _tc_a(x, W1)
    agg2p, z1s, dism = _mega_call(h1, sdidx, zmat, ones_blk,
                                  b1.reshape(1, _DH))
    return _tc_e(agg2p, z1s, dism, W2, b2.reshape(1, _DO))

# --- scband reference (transcript-rebuilt; emitter-appended) ---
"""Pipeline reference for scband-gcn-13125420056951 (READ-ONLY COPY).

The authoritative reference and input builder live on the scoring server;
editing this copy changes nothing except your own understanding.
"""

import jax, jax.numpy as jnp
import numpy as np

N = 10000
E = 320000
D_IN = 128
D_HID = 16
D_OUT = 20


def setup_inputs(seed: int = 0) -> dict:
    key = jax.random.key(seed)
    ks = jax.random.split(key, 6)
    x = jax.random.normal(ks[0], (N, D_IN), dtype=jnp.float32)
    edge_index = jax.random.randint(ks[1], (2, E), 0, N, dtype=jnp.int32)
    W1 = jax.random.normal(ks[2], (D_IN, D_HID), dtype=jnp.float32) / np.sqrt(D_IN)
    b1 = jnp.zeros((D_HID,), dtype=jnp.float32)
    W2 = jax.random.normal(ks[3], (D_HID, D_OUT), dtype=jnp.float32) / np.sqrt(D_HID)
    b2 = jnp.zeros((D_OUT,), dtype=jnp.float32)
    return {"x": x, "edge_index": edge_index, "W1": W1, "b1": b1, "W2": W2, "b2": b2}


def _gcn_layer(x, edge_index, W, b):
    # PyG GCNConv: add self-loops, symmetric normalization D^-1/2 A_hat D^-1/2,
    # linear transform, scatter-add aggregation to dst, plus bias.
    src = edge_index[0]
    dst = edge_index[1]
    loop = jnp.arange(N, dtype=src.dtype)
    src = jnp.concatenate([src, loop])
    dst = jnp.concatenate([dst, loop])
    deg = jax.ops.segment_sum(jnp.ones(src.shape, dtype=jnp.float32), dst, num_segments=N)
    deg_inv_sqrt = jnp.where(deg > 0, jax.lax.rsqrt(jnp.maximum(deg, 1e-12)), 0.0)
    norm = deg_inv_sqrt[src] * deg_inv_sqrt[dst]
    h = x @ W
    msgs = h[src] * norm[:, None]
    out = jax.ops.segment_sum(msgs, dst, num_segments=N)
    return out + b


def reference(x, edge_index, W1, b1, W2, b2):
    h = _gcn_layer(x, edge_index, W1, b1)
    h = jax.nn.relu(h)
    # F.dropout treated as identity (eval-mode reference)
    h = _gcn_layer(h, edge_index, W2, b2)
    return jax.nn.log_softmax(h, axis=1)

if __name__ == "__main__":
    import jax
    _d = setup_inputs()
    print(jax.jit(kernel)(*tuple(_d.values())))

</pallas_src>

<mosaic_0001>
#map = affine_map<(d0, d1) -> (0, 0)>
#map1 = affine_map<(d0, d1) -> (0, 0, 0)>
module attributes {stable_mosaic.version = 14 : i64} {
  func.func @_mega_body(%arg0: i32, %arg1: i32, %arg2: memref<10240x16xf32, #tpu.memory_space<hbm>>, %arg3: memref<16x20x1024xi32, #tpu.memory_space<hbm>>, %arg4: memref<640x16xf32, #tpu.memory_space<hbm>>, %arg5: memref<1024x16xf32, #tpu.memory_space<hbm>>, %arg6: memref<1x16xf32, #tpu.memory_space<hbm>>, %arg7: memref<10240x16xf32, #tpu.memory_space<hbm>>, %arg8: memref<10240x16xf32, #tpu.memory_space<hbm>>, %arg9: memref<10240x16xf32, #tpu.memory_space<hbm>>, %arg10: memref<20x1024xi32, #tpu.memory_space<vmem>>, %arg11: memref<20x1024xi32, #tpu.memory_space<vmem>>, %arg12: memref<1024x16xf32, #tpu.memory_space<vmem>>, %arg13: memref<1024x16xf32, #tpu.memory_space<vmem>>, %arg14: memref<640x16xf32, #tpu.memory_space<vmem>>, %arg15: memref<640x16xf32, #tpu.memory_space<vmem>>, %arg16: memref<1x16xf32, #tpu.memory_space<vmem>>, %arg17: memref<10240x16xf32, #tpu.memory_space<vmem_shared>>, %arg18: memref<10240x16xf32, #tpu.memory_space<vmem_shared>>, %arg19: memref<!tpu.dma_semaphore, #tpu.memory_space<semaphore_mem>>, %arg20: memref<!tpu.dma_semaphore, #tpu.memory_space<semaphore_mem>>) attributes {dimension_semantics = [#tpu.dimension_semantics<core_parallel>, #tpu.dimension_semantics<subcore_parallel>], iteration_bounds = array<i64: 1, 16>, scalar_prefetch = 0 : i64, scratch_operands = 11 : i64, tpu.core_type = #tpu.core_type<sc_vector_subcore>, window_params = [{transform_indices = #map}, {transform_indices = #map1}, {transform_indices = #map}, {transform_indices = #map}, {transform_indices = #map}, {transform_indices = #map}, {transform_indices = #map}, {transform_indices = #map}]} {
    %mul3A = arith.constant 640 : i32
    %mul3A_0 = arith.muli %arg1, %mul3A : i32
    "tpu.region"() ({
      %run_scoped3A = tpu.sem_alloc : memref<!tpu.dma_semaphore, #tpu.memory_space<semaphore_mem>>
      %dma_start3A_57 = arith.constant 0 : i32
      %dma_start3A_58 = tpu.memref_slice %arg17[%mul3A_0, %dma_start3A_57] : memref<10240x16xf32, #tpu.memory_space<vmem_shared>> -> memref<640x16xf32, #tpu.memory_space<vmem_shared>>
      tpu.enqueue_dma source(%arg4 : memref<640x16xf32, #tpu.memory_space<hbm>>) target(%dma_start3A_58 : memref<640x16xf32, #tpu.memory_space<vmem_shared>>) target_semaphore(%run_scoped3A : memref<!tpu.dma_semaphore, #tpu.memory_space<semaphore_mem>>)
      %dma_wait3A = arith.constant 0 : i32
      %dma_wait3A_59 = tpu.memref_slice %arg17[%mul3A_0, %dma_wait3A] : memref<10240x16xf32, #tpu.memory_space<vmem_shared>> -> memref<640x16xf32, #tpu.memory_space<vmem_shared>>
      tpu.wait_dma2 semaphore(%run_scoped3A : memref<!tpu.dma_semaphore, #tpu.memory_space<semaphore_mem>>) src(%arg4 : memref<640x16xf32, #tpu.memory_space<hbm>>) dst(%dma_wait3A_59 : memref<640x16xf32, #tpu.memory_space<vmem_shared>>)
      tpu.yield
    }) : () -> ()
    "tpu.region"() ({
      %run_scoped3A = tpu.sem_alloc : memref<!tpu.dma_semaphore, #tpu.memory_space<semaphore_mem>>
      %dma_start3A_57 = arith.constant 0 : i32
      %dma_start3A_58 = arith.constant 0 : i32
      %dma_start3A_59 = tpu.memref_slice %arg3[%arg1, %dma_start3A_57, %dma_start3A_58] : memref<16x20x1024xi32, #tpu.memory_space<hbm>> -> memref<1x20x1024xi32, #tpu.memory_space<hbm>>
      %dma_start3A_60 = tpu.memref_squeeze %dma_start3A_59 : memref<1x20x1024xi32, #tpu.memory_space<hbm>> -> memref<20x1024xi32, #tpu.memory_space<hbm>>
      %dma_start3A_61 = arith.constant 0 : i32
      %dma_start3A_62 = arith.constant 0 : i32
      %dma_start3A_63 = tpu.memref_slice %arg3[%arg1, %dma_start3A_61, %dma_start3A_62] : memref<16x20x1024xi32, #tpu.memory_space<hbm>> -> memref<1x20x1024xi32, #tpu.memory_space<hbm>>
      %dma_start3A_64 = tpu.memref_squeeze %dma_start3A_63 : memref<1x20x1024xi32, #tpu.memory_space<hbm>> -> memref<20x1024xi32, #tpu.memory_space<hbm>>
      tpu.enqueue_dma source(%dma_start3A_64 : memref<20x1024xi32, #tpu.memory_space<hbm>>) target(%arg11 : memref<20x1024xi32, #tpu.memory_space<vmem>>) target_semaphore(%run_scoped3A : memref<!tpu.dma_semaphore, #tpu.memory_space<semaphore_mem>>)
      %dma_wait3A = arith.constant 0 : i32
      %dma_wait3A_65 = arith.constant 0 : i32
      %dma_wait3A_66 = tpu.memref_slice %arg3[%arg1, %dma_wait3A, %dma_wait3A_65] : memref<16x20x1024xi32, #tpu.memory_space<hbm>> -> memref<1x20x1024xi32, #tpu.memory_space<hbm>>
      %dma_wait3A_67 = tpu.memref_squeeze %dma_wait3A_66 : memref<1x20x1024xi32, #tpu.memory_space<hbm>> -> memref<20x1024xi32, #tpu.memory_space<hbm>>
      %dma_wait3A_68 = arith.constant 0 : i32
      %dma_wait3A_69 = arith.constant 0 : i32
      %dma_wait3A_70 = tpu.memref_slice %arg3[%arg1, %dma_wait3A_68, %dma_wait3A_69] : memref<16x20x1024xi32, #tpu.memory_space<hbm>> -> memref<1x20x1024xi32, #tpu.memory_space<hbm>>
      %dma_wait3A_71 = tpu.memref_squeeze %dma_wait3A_70 : memref<1x20x1024xi32, #tpu.memory_space<hbm>> -> memref<20x1024xi32, #tpu.memory_space<hbm>>
      tpu.wait_dma2 semaphore(%run_scoped3A : memref<!tpu.dma_semaphore, #tpu.memory_space<semaphore_mem>>) src(%dma_wait3A_71 : memref<20x1024xi32, #tpu.memory_space<hbm>>) dst(%arg11 : memref<20x1024xi32, #tpu.memory_space<vmem>>)
      tpu.yield
    }) : () -> ()
    "tpu.region"() ({
      %run_scoped3A = tpu.sem_alloc : memref<!tpu.dma_semaphore, #tpu.memory_space<semaphore_mem>>
      tpu.enqueue_dma source(%arg5 : memref<1024x16xf32, #tpu.memory_space<hbm>>) target(%arg12 : memref<1024x16xf32, #tpu.memory_space<vmem>>) target_semaphore(%run_scoped3A : memref<!tpu.dma_semaphore, #tpu.memory_space<semaphore_mem>>)
      tpu.wait_dma2 semaphore(%run_scoped3A : memref<!tpu.dma_semaphore, #tpu.memory_space<semaphore_mem>>) src(%arg5 : memref<1024x16xf32, #tpu.memory_space<hbm>>) dst(%arg12 : memref<1024x16xf32, #tpu.memory_space<vmem>>)
      tpu.yield
    }) : () -> ()
    "tpu.region"() ({
      %run_scoped3A = tpu.sem_alloc : memref<!tpu.dma_semaphore, #tpu.memory_space<semaphore_mem>>
      tpu.enqueue_dma source(%arg6 : memref<1x16xf32, #tpu.memory_space<hbm>>) target(%arg16 : memref<1x16xf32, #tpu.memory_space<vmem>>) target_semaphore(%run_scoped3A : memref<!tpu.dma_semaphore, #tpu.memory_space<semaphore_mem>>)
      tpu.wait_dma2 semaphore(%run_scoped3A : memref<!tpu.dma_semaphore, #tpu.memory_space<semaphore_mem>>) src(%arg6 : memref<1x16xf32, #tpu.memory_space<hbm>>) dst(%arg16 : memref<1x16xf32, #tpu.memory_space<vmem>>)
      tpu.yield
    }) : () -> ()
    %scan3A = arith.constant 0 : i32
    %scan3A_1 = arith.constant 0 : i32
    %scan3A_2 = arith.constant 1280 : i32
    %scan3A_3 = arith.addi %scan3A_1, %scan3A_2 : i32
    %scan3A_4 = arith.constant 1 : i32
    scf.for %scan3A_57 = %scan3A_1 to %scan3A_3 step %scan3A_4  : i32 {
      %jit3A = arith.constant 64 : i32
      %div3A = arith.divsi %scan3A_57, %jit3A : i32
      %sign3A = arith.constant 0 : i32
      %sign3A_58 = arith.cmpi sgt, %scan3A_57, %sign3A : i32
      %sign3A_59 = arith.extui %sign3A_58 : i1 to i32
      %sign3A_60 = arith.constant 0 : i32
      %sign3A_61 = arith.cmpi slt, %scan3A_57, %sign3A_60 : i32
      %sign3A_62 = arith.extui %sign3A_61 : i1 to i32
      %sign3A_63 = arith.subi %sign3A_59, %sign3A_62 : i32
      %sign3A_64 = arith.constant 0 : i32
      %sign3A_65 = arith.cmpi sgt, %jit3A, %sign3A_64 : i32
      %sign3A_66 = arith.extui %sign3A_65 : i1 to i32
      %sign3A_67 = arith.constant 0 : i32
      %sign3A_68 = arith.cmpi slt, %jit3A, %sign3A_67 : i32
      %sign3A_69 = arith.extui %sign3A_68 : i1 to i32
      %sign3A_70 = arith.subi %sign3A_66, %sign3A_69 : i32
      %ne3A = arith.cmpi ne, %sign3A_63, %sign3A_70 : i32
      %rem3A = arith.remsi %scan3A_57, %jit3A : i32
      %ne3A_71 = arith.constant 0 : i32
      %ne3A_72 = arith.cmpi ne, %rem3A, %ne3A_71 : i32
      %and3A = arith.andi %ne3A, %ne3A_72 : i1
      %sub3A = arith.constant 1 : i32
      %sub3A_73 = arith.subi %div3A, %sub3A : i32
      %select_n3A = arith.select %and3A, %sub3A_73, %div3A : i32
      %jit3A_74 = arith.constant 64 : i32
      %eq3A = arith.constant 0 : i32
      %eq3A_75 = arith.cmpi eq, %jit3A_74, %eq3A : i32
      %jit3A_76 = arith.constant 1 : i32
      %select_n3A_77 = arith.select %eq3A_75, %jit3A_76, %jit3A_74 : i32
      %rem3A_78 = arith.remsi %scan3A_57, %select_n3A_77 : i32
      %ne3A_79 = arith.constant 0 : i32
      %ne3A_80 = arith.cmpi ne, %rem3A_78, %ne3A_79 : i32
      %lt3A = arith.constant 0 : i32
      %lt3A_81 = arith.cmpi slt, %rem3A_78, %lt3A : i32
      %lt3A_82 = arith.constant 0 : i32
      %lt3A_83 = arith.cmpi slt, %select_n3A_77, %lt3A_82 : i32
      %ne3A_84 = arith.xori %lt3A_81, %lt3A_83 : i1
      %and3A_85 = arith.andi %ne3A_84, %ne3A_80 : i1
      %add3A = arith.addi %rem3A_78, %select_n3A_77 : i32
      %select_n3A_86 = arith.select %and3A_85, %add3A, %rem3A_78 : i32
      %mul3A_87 = arith.constant 16 : i32
      %mul3A_88 = arith.muli %select_n3A_86, %mul3A_87 : i32
      %get3A_89 = arith.index_cast %select_n3A : i32 to index
      %get3A_90 = arith.index_cast %mul3A_88 : i32 to index
      %get3A_91 = tpu.vector_load %arg11[%get3A_89, %get3A_90] {strides = array<i32>} : memref<20x1024xi32, #tpu.memory_space<vmem>>, vector<16xi32>,
      %and3A_92 = arith.constant 65535 : i32
      %and3A_93 = vector.broadcast %and3A_92 : i32 to vector<16xi32>
      %and3A_94 = arith.andi %get3A_91, %and3A_93 : vector<16xi32>
      %swap3A = arith.index_cast %select_n3A : i32 to index
      %swap3A_95 = arith.index_cast %mul3A_88 : i32 to index
      %swap3A_96 = tpu.vector_load %arg10[%swap3A, %swap3A_95] {strides = array<i32>} : memref<20x1024xi32, #tpu.memory_space<vmem>>, vector<16xi32>,
      tpu.vector_store %arg10[%swap3A, %swap3A_95], %and3A_94 {strides = array<i32>} : memref<20x1024xi32, #tpu.memory_space<vmem>>, vector<16xi32>,
      %shift_right_logical3A = arith.constant 16 : i32
      %shift_right_logical3A_97 = vector.broadcast %shift_right_logical3A : i32 to vector<16xi32>
      %shift_right_logical3A_98 = arith.shrui %get3A_91, %shift_right_logical3A_97 : vector<16xi32>
      %swap3A_99 = arith.index_cast %select_n3A : i32 to index
      %swap3A_100 = arith.index_cast %mul3A_88 : i32 to index
      %swap3A_101 = tpu.vector_load %arg11[%swap3A_99, %swap3A_100] {strides = array<i32>} : memref<20x1024xi32, #tpu.memory_space<vmem>>, vector<16xi32>,
      tpu.vector_store %arg11[%swap3A_99, %swap3A_100], %shift_right_logical3A_98 {strides = array<i32>} : memref<20x1024xi32, #tpu.memory_space<vmem>>, vector<16xi32>,
    }
    %scan3A_5 = arith.constant 1280 : i32
    %barrier3A = arith.constant 0 : index
    tpu.barrier barrier_id(%barrier3A)
    %scan3A_6 = arith.constant 0 : i32
    %scan3A_7 = arith.constant 0 : i32
    %scan3A_8 = arith.constant 20 : i32
    %scan3A_9 = arith.addi %scan3A_7, %scan3A_8 : i32
    %scan3A_10 = arith.constant 1 : i32
    scf.for %scan3A_57 = %scan3A_7 to %scan3A_9 step %scan3A_10  : i32 {
      "tpu.region"() ({
        %run_scoped3A = tpu.sem_alloc : memref<!tpu.dma_semaphore, #tpu.memory_space<semaphore_mem>>
        %dma_start3A_58 = arith.constant 0 : i32
        %dma_start3A_59 = tpu.memref_slice %arg11[%scan3A_57, %dma_start3A_58] : memref<20x1024xi32, #tpu.memory_space<vmem>> -> memref<1x1024xi32, #tpu.memory_space<vmem>>
        %dma_start3A_60 = tpu.memref_squeeze %dma_start3A_59 : memref<1x1024xi32, #tpu.memory_space<vmem>> -> memref<1024xi32, #tpu.memory_space<vmem>>
        %dma_start3A_61 = arith.constant 0 : i32
        %dma_start3A_62 = arith.constant 0 : i32
        %dma_start3A_63 = tpu.memref_slice %arg17[%dma_start3A_61, %dma_start3A_62] : memref<10240x16xf32, #tpu.memory_space<vmem_shared>> -> memref<10240x16xf32, #tpu.memory_space<vmem_shared>>
        tpu.enqueue_indirect_dma source(%arg12 : memref<1024x16xf32, #tpu.memory_space<vmem>>) target(%dma_start3A_63 : memref<10240x16xf32, #tpu.memory_space<vmem_shared>>) offsets(%dma_start3A_60 : memref<1024xi32, #tpu.memory_space<vmem>>) semaphore(%run_scoped3A : memref<!tpu.dma_semaphore, #tpu.memory_space<semaphore_mem>>) {add = true}
        %dma_wait3A = arith.constant 0 : i32
        %dma_wait3A_64 = tpu.memref_slice %arg11[%scan3A_57, %dma_wait3A] : memref<20x1024xi32, #tpu.memory_space<vmem>> -> memref<1x1024xi32, #tpu.memory_space<vmem>>
        %dma_wait3A_65 = tpu.memref_squeeze %dma_wait3A_64 : memref<1x1024xi32, #tpu.memory_space<vmem>> -> memref<1024xi32, #tpu.memory_space<vmem>>
        %dma_wait3A_66 = arith.constant 0 : i32
        %dma_wait3A_67 = arith.constant 0 : i32
        %dma_wait3A_68 = tpu.memref_slice %arg17[%dma_wait3A_66, %dma_wait3A_67] : memref<10240x16xf32, #tpu.memory_space<vmem_shared>> -> memref<10240x16xf32, #tpu.memory_space<vmem_shared>>
        tpu.wait_indirect_dma semaphore(%run_scoped3A : memref<!tpu.dma_semaphore, #tpu.memory_space<semaphore_mem>>) src(%arg12 : memref<1024x16xf32, #tpu.memory_space<vmem>>) dst(%dma_wait3A_68 : memref<10240x16xf32, #tpu.memory_space<vmem_shared>>)
        tpu.yield
      }) : () -> ()
    }
    %scan3A_11 = arith.constant 20 : i32
    %barrier3A_12 = arith.constant 0 : index
    tpu.barrier barrier_id(%barrier3A_12)
    "tpu.region"() ({
      %run_scoped3A = tpu.sem_alloc : memref<!tpu.dma_semaphore, #tpu.memory_space<semaphore_mem>>
      %dma_start3A_57 = arith.constant 0 : i32
      %dma_start3A_58 = arith.constant 0 : i32
      %dma_start3A_59 = tpu.memref_slice %arg13[%dma_start3A_57, %dma_start3A_58] : memref<1024x16xf32, #tpu.memory_space<vmem>> -> memref<640x16xf32, #tpu.memory_space<vmem>>
      %dma_start3A_60 = arith.constant 0 : i32
      %dma_start3A_61 = tpu.memref_slice %arg17[%mul3A_0, %dma_start3A_60] : memref<10240x16xf32, #tpu.memory_space<vmem_shared>> -> memref<640x16xf32, #tpu.memory_space<vmem_shared>>
      %dma_start3A_62 = arith.constant 0 : i32
      %dma_start3A_63 = arith.constant 0 : i32
      %dma_start3A_64 = tpu.memref_slice %arg13[%dma_start3A_62, %dma_start3A_63] : memref<1024x16xf32, #tpu.memory_space<vmem>> -> memref<640x16xf32, #tpu.memory_space<vmem>>
      %dma_start3A_65 = arith.constant 0 : i32
      %dma_start3A_66 = tpu.memref_slice %arg17[%mul3A_0, %dma_start3A_65] : memref<10240x16xf32, #tpu.memory_space<vmem_shared>> -> memref<640x16xf32, #tpu.memory_space<vmem_shared>>
      tpu.enqueue_dma source(%dma_start3A_66 : memref<640x16xf32, #tpu.memory_space<vmem_shared>>) target(%dma_start3A_64 : memref<640x16xf32, #tpu.memory_space<vmem>>) target_semaphore(%run_scoped3A : memref<!tpu.dma_semaphore, #tpu.memory_space<semaphore_mem>>)
      %dma_wait3A = arith.constant 0 : i32
      %dma_wait3A_67 = arith.constant 0 : i32
      %dma_wait3A_68 = tpu.memref_slice %arg13[%dma_wait3A, %dma_wait3A_67] : memref<1024x16xf32, #tpu.memory_space<vmem>> -> memref<640x16xf32, #tpu.memory_space<vmem>>
      %dma_wait3A_69 = arith.constant 0 : i32
      %dma_wait3A_70 = tpu.memref_slice %arg17[%mul3A_0, %dma_wait3A_69] : memref<10240x16xf32, #tpu.memory_space<vmem_shared>> -> memref<640x16xf32, #tpu.memory_space<vmem_shared>>
      %dma_wait3A_71 = arith.constant 0 : i32
      %dma_wait3A_72 = arith.constant 0 : i32
      %dma_wait3A_73 = tpu.memref_slice %arg13[%dma_wait3A_71, %dma_wait3A_72] : memref<1024x16xf32, #tpu.memory_space<vmem>> -> memref<640x16xf32, #tpu.memory_space<vmem>>
      %dma_wait3A_74 = arith.constant 0 : i32
      %dma_wait3A_75 = tpu.memref_slice %arg17[%mul3A_0, %dma_wait3A_74] : memref<10240x16xf32, #tpu.memory_space<vmem_shared>> -> memref<640x16xf32, #tpu.memory_space<vmem_shared>>
      tpu.wait_dma2 semaphore(%run_scoped3A : memref<!tpu.dma_semaphore, #tpu.memory_space<semaphore_mem>>) src(%dma_wait3A_75 : memref<640x16xf32, #tpu.memory_space<vmem_shared>>) dst(%dma_wait3A_73 : memref<640x16xf32, #tpu.memory_space<vmem>>)
      tpu.yield
    }) : () -> ()
    "tpu.region"() ({
      %run_scoped3A = tpu.sem_alloc : memref<!tpu.dma_semaphore, #tpu.memory_space<semaphore_mem>>
      %dma_start3A_57 = arith.constant 0 : i32
      %dma_start3A_58 = arith.constant 0 : i32
      %dma_start3A_59 = tpu.memref_slice %arg12[%dma_start3A_57, %dma_start3A_58] : memref<1024x16xf32, #tpu.memory_space<vmem>> -> memref<640x16xf32, #tpu.memory_space<vmem>>
      %dma_start3A_60 = arith.constant 0 : i32
      %dma_start3A_61 = tpu.memref_slice %arg2[%mul3A_0, %dma_start3A_60] : memref<10240x16xf32, #tpu.memory_space<hbm>> -> memref<640x16xf32, #tpu.memory_space<hbm>>
      %dma_start3A_62 = arith.constant 0 : i32
      %dma_start3A_63 = arith.constant 0 : i32
      %dma_start3A_64 = tpu.memref_slice %arg12[%dma_start3A_62, %dma_start3A_63] : memref<1024x16xf32, #tpu.memory_space<vmem>> -> memref<640x16xf32, #tpu.memory_space<vmem>>
      %dma_start3A_65 = arith.constant 0 : i32
      %dma_start3A_66 = tpu.memref_slice %arg2[%mul3A_0, %dma_start3A_65] : memref<10240x16xf32, #tpu.memory_space<hbm>> -> memref<640x16xf32, #tpu.memory_space<hbm>>
      tpu.enqueue_dma source(%dma_start3A_66 : memref<640x16xf32, #tpu.memory_space<hbm>>) target(%dma_start3A_64 : memref<640x16xf32, #tpu.memory_space<vmem>>) target_semaphore(%run_scoped3A : memref<!tpu.dma_semaphore, #tpu.memory_space<semaphore_mem>>)
      %dma_wait3A = arith.constant 0 : i32
      %dma_wait3A_67 = arith.constant 0 : i32
      %dma_wait3A_68 = tpu.memref_slice %arg12[%dma_wait3A, %dma_wait3A_67] : memref<1024x16xf32, #tpu.memory_space<vmem>> -> memref<640x16xf32, #tpu.memory_space<vmem>>
      %dma_wait3A_69 = arith.constant 0 : i32
      %dma_wait3A_70 = tpu.memref_slice %arg2[%mul3A_0, %dma_wait3A_69] : memref<10240x16xf32, #tpu.memory_space<hbm>> -> memref<640x16xf32, #tpu.memory_space<hbm>>
      %dma_wait3A_71 = arith.constant 0 : i32
      %dma_wait3A_72 = arith.constant 0 : i32
      %dma_wait3A_73 = tpu.memref_slice %arg12[%dma_wait3A_71, %dma_wait3A_72] : memref<1024x16xf32, #tpu.memory_space<vmem>> -> memref<640x16xf32, #tpu.memory_space<vmem>>
      %dma_wait3A_74 = arith.constant 0 : i32
      %dma_wait3A_75 = tpu.memref_slice %arg2[%mul3A_0, %dma_wait3A_74] : memref<10240x16xf32, #tpu.memory_space<hbm>> -> memref<640x16xf32, #tpu.memory_space<hbm>>
      tpu.wait_dma2 semaphore(%run_scoped3A : memref<!tpu.dma_semaphore, #tpu.memory_space<semaphore_mem>>) src(%dma_wait3A_75 : memref<640x16xf32, #tpu.memory_space<hbm>>) dst(%dma_wait3A_73 : memref<640x16xf32, #tpu.memory_space<vmem>>)
      tpu.yield
    }) : () -> ()
    %scan3A_13 = arith.constant 0 : i32
    %scan3A_14 = arith.constant 0 : i32
    %scan3A_15 = arith.constant 640 : i32
    %scan3A_16 = arith.addi %scan3A_14, %scan3A_15 : i32
    %scan3A_17 = arith.constant 1 : i32
    scf.for %scan3A_57 = %scan3A_14 to %scan3A_16 step %scan3A_17  : i32 {
      %get3A_58 = arith.constant 0 : i32
      %get3A_59 = arith.constant 0 : i32
      %get3A_60 = tpu.memref_slice %arg13[%get3A_58, %get3A_59] : memref<1024x16xf32, #tpu.memory_space<vmem>> -> memref<640x16xf32, #tpu.memory_space<vmem>>
      %get3A_61 = arith.index_cast %scan3A_57 : i32 to index
      %get3A_62 = arith.constant 0 : index
      %get3A_63 = tpu.vector_load %get3A_60[%get3A_61, %get3A_62] {strides = array<i32>} : memref<640x16xf32, #tpu.memory_space<vmem>>, vector<16xf32>,
      %add3A = arith.constant 1.000000e+00 : f32
      %add3A_64 = vector.broadcast %add3A : f32 to vector<16xf32>
      %add3A_65 = arith.addf %get3A_63, %add3A_64 : vector<16xf32>
      %bitcast3A = vector.bitcast %add3A_65 : vector<16xf32> to vector<16xi32>
      %broadcast_in_dim3A = arith.constant 1597463007 : i32
      %broadcast_in_dim3A_66 = vector.broadcast %broadcast_in_dim3A : i32 to vector<16xi32>
      %shift_right_arithmetic3A = arith.constant 1 : i32
      %shift_right_arithmetic3A_67 = vector.broadcast %shift_right_arithmetic3A : i32 to vector<16xi32>
      %shift_right_arithmetic3A_68 = arith.shrsi %bitcast3A, %shift_right_arithmetic3A_67 : vector<16xi32>
      %sub3A = arith.subi %broadcast_in_dim3A_66, %shift_right_arithmetic3A_68 : vector<16xi32>
      %bitcast3A_69 = vector.bitcast %sub3A : vector<16xi32> to vector<16xf32>
      %mul3A_70 = arith.constant 5.000000e-01 : f32
      %mul3A_71 = vector.broadcast %mul3A_70 : f32 to vector<16xf32>
      %mul3A_72 = arith.mulf %mul3A_71, %add3A_65 : vector<16xf32>
      %mul3A_73 = arith.mulf %mul3A_72, %bitcast3A_69 : vector<16xf32>
      %mul3A_74 = arith.mulf %mul3A_73, %bitcast3A_69 : vector<16xf32>
      %sub3A_75 = arith.constant 1.500000e+00 : f32
      %sub3A_76 = vector.broadcast %sub3A_75 : f32 to vector<16xf32>
      %sub3A_77 = arith.subf %sub3A_76, %mul3A_74 : vector<16xf32>
      %mul3A_78 = arith.mulf %bitcast3A_69, %sub3A_77 : vector<16xf32>
      %mul3A_79 = arith.constant 5.000000e-01 : f32
      %mul3A_80 = vector.broadcast %mul3A_79 : f32 to vector<16xf32>
      %mul3A_81 = arith.mulf %mul3A_80, %add3A_65 : vector<16xf32>
      %mul3A_82 = arith.mulf %mul3A_81, %mul3A_78 : vector<16xf32>
      %mul3A_83 = arith.mulf %mul3A_82, %mul3A_78 : vector<16xf32>
      %sub3A_84 = arith.constant 1.500000e+00 : f32
      %sub3A_85 = vector.broadcast %sub3A_84 : f32 to vector<16xf32>
      %sub3A_86 = arith.subf %sub3A_85, %mul3A_83 : vector<16xf32>
      %mul3A_87 = arith.mulf %mul3A_78, %sub3A_86 : vector<16xf32>
      %swap3A = arith.index_cast %scan3A_57 : i32 to index
      %swap3A_88 = arith.constant 0 : index
      %swap3A_89 = tpu.vector_load %arg15[%swap3A, %swap3A_88] {strides = array<i32>} : memref<640x16xf32, #tpu.memory_space<vmem>>, vector<16xf32>,
      tpu.vector_store %arg15[%swap3A, %swap3A_88], %mul3A_87 {strides = array<i32>} : memref<640x16xf32, #tpu.memory_space<vmem>>, vector<16xf32>,
      %get3A_90 = arith.constant 0 : i32
      %get3A_91 = arith.constant 0 : i32
      %get3A_92 = tpu.memref_slice %arg12[%get3A_90, %get3A_91] : memref<1024x16xf32, #tpu.memory_space<vmem>> -> memref<640x16xf32, #tpu.memory_space<vmem>>
      %get3A_93 = arith.index_cast %scan3A_57 : i32 to index
      %get3A_94 = arith.constant 0 : index
      %get3A_95 = tpu.vector_load %get3A_92[%get3A_93, %get3A_94] {strides = array<i32>} : memref<640x16xf32, #tpu.memory_space<vmem>>, vector<16xf32>,
      %mul3A_96 = arith.mulf %get3A_95, %mul3A_87 : vector<16xf32>
      %swap3A_97 = arith.index_cast %scan3A_57 : i32 to index
      %swap3A_98 = arith.constant 0 : index
      %swap3A_99 = tpu.vector_load %arg14[%swap3A_97, %swap3A_98] {strides = array<i32>} : memref<640x16xf32, #tpu.memory_space<vmem>>, vector<16xf32>,
      tpu.vector_store %arg14[%swap3A_97, %swap3A_98], %mul3A_96 {strides = array<i32>} : memref<640x16xf32, #tpu.memory_space<vmem>>, vector<16xf32>,
    }
    %scan3A_18 = arith.constant 640 : i32
    "tpu.region"() ({
      %run_scoped3A = tpu.sem_alloc : memref<!tpu.dma_semaphore, #tpu.memory_space<semaphore_mem>>
      %dma_start3A_57 = arith.constant 0 : i32
      %dma_start3A_58 = tpu.memref_slice %arg18[%mul3A_0, %dma_start3A_57] : memref<10240x16xf32, #tpu.memory_space<vmem_shared>> -> memref<640x16xf32, #tpu.memory_space<vmem_shared>>
      %dma_start3A_59 = arith.constant 0 : i32
      %dma_start3A_60 = tpu.memref_slice %arg18[%mul3A_0, %dma_start3A_59] : memref<10240x16xf32, #tpu.memory_space<vmem_shared>> -> memref<640x16xf32, #tpu.memory_space<vmem_shared>>
      tpu.enqueue_dma source(%arg14 : memref<640x16xf32, #tpu.memory_space<vmem>>) target(%dma_start3A_60 : memref<640x16xf32, #tpu.memory_space<vmem_shared>>) target_semaphore(%run_scoped3A : memref<!tpu.dma_semaphore, #tpu.memory_space<semaphore_mem>>)
      %dma_wait3A = arith.constant 0 : i32
      %dma_wait3A_61 = tpu.memref_slice %arg18[%mul3A_0, %dma_wait3A] : memref<10240x16xf32, #tpu.memory_space<vmem_shared>> -> memref<640x16xf32, #tpu.memory_space<vmem_shared>>
      %dma_wait3A_62 = arith.constant 0 : i32
      %dma_wait3A_63 = tpu.memref_slice %arg18[%mul3A_0, %dma_wait3A_62] : memref<10240x16xf32, #tpu.memory_space<vmem_shared>> -> memref<640x16xf32, #tpu.memory_space<vmem_shared>>
      tpu.wait_dma2 semaphore(%run_scoped3A : memref<!tpu.dma_semaphore, #tpu.memory_space<semaphore_mem>>) src(%arg14 : memref<640x16xf32, #tpu.memory_space<vmem>>) dst(%dma_wait3A_63 : memref<640x16xf32, #tpu.memory_space<vmem_shared>>)
      tpu.yield
    }) : () -> ()
    "tpu.region"() ({
      %run_scoped3A = tpu.sem_alloc : memref<!tpu.dma_semaphore, #tpu.memory_space<semaphore_mem>>
      %dma_start3A_57 = arith.constant 0 : i32
      %dma_start3A_58 = tpu.memref_slice %arg9[%mul3A_0, %dma_start3A_57] : memref<10240x16xf32, #tpu.memory_space<hbm>> -> memref<640x16xf32, #tpu.memory_space<hbm>>
      %dma_start3A_59 = arith.constant 0 : i32
      %dma_start3A_60 = tpu.memref_slice %arg9[%mul3A_0, %dma_start3A_59] : memref<10240x16xf32, #tpu.memory_space<hbm>> -> memref<640x16xf32, #tpu.memory_space<hbm>>
      tpu.enqueue_dma source(%arg15 : memref<640x16xf32, #tpu.memory_space<vmem>>) target(%dma_start3A_60 : memref<640x16xf32, #tpu.memory_space<hbm>>) target_semaphore(%run_scoped3A : memref<!tpu.dma_semaphore, #tpu.memory_space<semaphore_mem>>)
      %dma_wait3A = arith.constant 0 : i32
      %dma_wait3A_61 = tpu.memref_slice %arg9[%mul3A_0, %dma_wait3A] : memref<10240x16xf32, #tpu.memory_space<hbm>> -> memref<640x16xf32, #tpu.memory_space<hbm>>
      %dma_wait3A_62 = arith.constant 0 : i32
      %dma_wait3A_63 = tpu.memref_slice %arg9[%mul3A_0, %dma_wait3A_62] : memref<10240x16xf32, #tpu.memory_space<hbm>> -> memref<640x16xf32, #tpu.memory_space<hbm>>
      tpu.wait_dma2 semaphore(%run_scoped3A : memref<!tpu.dma_semaphore, #tpu.memory_space<semaphore_mem>>) src(%arg15 : memref<640x16xf32, #tpu.memory_space<vmem>>) dst(%dma_wait3A_63 : memref<640x16xf32, #tpu.memory_space<hbm>>)
      tpu.yield
    }) : () -> ()
    "tpu.region"() ({
      %run_scoped3A = tpu.sem_alloc : memref<!tpu.dma_semaphore, #tpu.memory_space<semaphore_mem>>
      %dma_start3A_57 = arith.constant 0 : i32
      %dma_start3A_58 = tpu.memref_slice %arg17[%mul3A_0, %dma_start3A_57] : memref<10240x16xf32, #tpu.memory_space<vmem_shared>> -> memref<640x16xf32, #tpu.memory_space<vmem_shared>>
      tpu.enqueue_dma source(%arg4 : memref<640x16xf32, #tpu.memory_space<hbm>>) target(%dma_start3A_58 : memref<640x16xf32, #tpu.memory_space<vmem_shared>>) target_semaphore(%run_scoped3A : memref<!tpu.dma_semaphore, #tpu.memory_space<semaphore_mem>>)
      %dma_wait3A = arith.constant 0 : i32
      %dma_wait3A_59 = tpu.memref_slice %arg17[%mul3A_0, %dma_wait3A] : memref<10240x16xf32, #tpu.memory_space<vmem_shared>> -> memref<640x16xf32, #tpu.memory_space<vmem_shared>>
      tpu.wait_dma2 semaphore(%run_scoped3A : memref<!tpu.dma_semaphore, #tpu.memory_space<semaphore_mem>>) src(%arg4 : memref<640x16xf32, #tpu.memory_space<hbm>>) dst(%dma_wait3A_59 : memref<640x16xf32, #tpu.memory_space<vmem_shared>>)
      tpu.yield
    }) : () -> ()
    %barrier3A_19 = arith.constant 0 : index
    tpu.barrier barrier_id(%barrier3A_19)
    %dma_start3A = arith.constant 0 : i32
    %dma_start3A_20 = arith.constant 0 : i32
    %dma_start3A_21 = tpu.memref_slice %arg10[%dma_start3A, %dma_start3A_20] : memref<20x1024xi32, #tpu.memory_space<vmem>> -> memref<1x1024xi32, #tpu.memory_space<vmem>>
    %dma_start3A_22 = tpu.memref_squeeze %dma_start3A_21 : memref<1x1024xi32, #tpu.memory_space<vmem>> -> memref<1024xi32, #tpu.memory_space<vmem>>
    %dma_start3A_23 = arith.constant 0 : i32
    %dma_start3A_24 = arith.constant 0 : i32
    %dma_start3A_25 = tpu.memref_slice %arg18[%dma_start3A_23, %dma_start3A_24] : memref<10240x16xf32, #tpu.memory_space<vmem_shared>> -> memref<10240x16xf32, #tpu.memory_space<vmem_shared>>
    tpu.enqueue_indirect_dma source(%dma_start3A_25 : memref<10240x16xf32, #tpu.memory_space<vmem_shared>>) target(%arg12 : memref<1024x16xf32, #tpu.memory_space<vmem>>) offsets(%dma_start3A_22 : memref<1024xi32, #tpu.memory_space<vmem>>) semaphore(%arg19 : memref<!tpu.dma_semaphore, #tpu.memory_space<semaphore_mem>>)
    %scan3A_26 = arith.constant 0 : i32
    %scan3A_27 = arith.constant 0 : i32
    %scan3A_28 = arith.constant 10 : i32
    %scan3A_29 = arith.addi %scan3A_27, %scan3A_28 : i32
    %scan3A_30 = arith.constant 1 : i32
    scf.for %scan3A_57 = %scan3A_27 to %scan3A_29 step %scan3A_30  : i32 {
      %mul3A_58 = arith.constant 2 : i32
      %mul3A_59 = arith.muli %mul3A_58, %scan3A_57 : i32
      %add3A = arith.constant 1 : i32
      %add3A_60 = arith.addi %mul3A_59, %add3A : i32
      %dma_start3A_61 = arith.constant 0 : i32
      %dma_start3A_62 = tpu.memref_slice %arg10[%add3A_60, %dma_start3A_61] : memref<20x1024xi32, #tpu.memory_space<vmem>> -> memref<1x1024xi32, #tpu.memory_space<vmem>>
      %dma_start3A_63 = tpu.memref_squeeze %dma_start3A_62 : memref<1x1024xi32, #tpu.memory_space<vmem>> -> memref<1024xi32, #tpu.memory_space<vmem>>
      %dma_start3A_64 = arith.constant 0 : i32
      %dma_start3A_65 = arith.constant 0 : i32
      %dma_start3A_66 = tpu.memref_slice %arg18[%dma_start3A_64, %dma_start3A_65] : memref<10240x16xf32, #tpu.memory_space<vmem_shared>> -> memref<10240x16xf32, #tpu.memory_space<vmem_shared>>
      tpu.enqueue_indirect_dma source(%dma_start3A_66 : memref<10240x16xf32, #tpu.memory_space<vmem_shared>>) target(%arg13 : memref<1024x16xf32, #tpu.memory_space<vmem>>) offsets(%dma_start3A_63 : memref<1024xi32, #tpu.memory_space<vmem>>) semaphore(%arg20 : memref<!tpu.dma_semaphore, #tpu.memory_space<semaphore_mem>>)
      %dma_wait3A = arith.constant 0 : i32
      %dma_wait3A_67 = tpu.memref_slice %arg10[%mul3A_59, %dma_wait3A] : memref<20x1024xi32, #tpu.memory_space<vmem>> -> memref<1x1024xi32, #tpu.memory_space<vmem>>
      %dma_wait3A_68 = tpu.memref_squeeze %dma_wait3A_67 : memref<1x1024xi32, #tpu.memory_space<vmem>> -> memref<1024xi32, #tpu.memory_space<vmem>>
      %dma_wait3A_69 = arith.constant 0 : i32
      %dma_wait3A_70 = arith.constant 0 : i32
      %dma_wait3A_71 = tpu.memref_slice %arg18[%dma_wait3A_69, %dma_wait3A_70] : memref<10240x16xf32, #tpu.memory_space<vmem_shared>> -> memref<10240x16xf32, #tpu.memory_space<vmem_shared>>
      tpu.wait_indirect_dma semaphore(%arg19 : memref<!tpu.dma_semaphore, #tpu.memory_space<semaphore_mem>>) src(%dma_wait3A_71 : memref<10240x16xf32, #tpu.memory_space<vmem_shared>>) dst(%arg12 : memref<1024x16xf32, #tpu.memory_space<vmem>>)
      "tpu.region"() ({
        %run_scoped3A = tpu.sem_alloc : memref<!tpu.dma_semaphore, #tpu.memory_space<semaphore_mem>>
        %dma_start3A_80 = arith.constant 0 : i32
        %dma_start3A_81 = tpu.memref_slice %arg11[%mul3A_59, %dma_start3A_80] : memref<20x1024xi32, #tpu.memory_space<vmem>> -> memref<1x1024xi32, #tpu.memory_space<vmem>>
        %dma_start3A_82 = tpu.memref_squeeze %dma_start3A_81 : memref<1x1024xi32, #tpu.memory_space<vmem>> -> memref<1024xi32, #tpu.memory_space<vmem>>
        %dma_start3A_83 = arith.constant 0 : i32
        %dma_start3A_84 = arith.constant 0 : i32
        %dma_start3A_85 = tpu.memref_slice %arg17[%dma_start3A_83, %dma_start3A_84] : memref<10240x16xf32, #tpu.memory_space<vmem_shared>> -> memref<10240x16xf32, #tpu.memory_space<vmem_shared>>
        tpu.enqueue_indirect_dma source(%arg12 : memref<1024x16xf32, #tpu.memory_space<vmem>>) target(%dma_start3A_85 : memref<10240x16xf32, #tpu.memory_space<vmem_shared>>) offsets(%dma_start3A_82 : memref<1024xi32, #tpu.memory_space<vmem>>) semaphore(%run_scoped3A : memref<!tpu.dma_semaphore, #tpu.memory_space<semaphore_mem>>) {add = true}
        %dma_wait3A_86 = arith.constant 0 : i32
        %dma_wait3A_87 = tpu.memref_slice %arg11[%mul3A_59, %dma_wait3A_86] : memref<20x1024xi32, #tpu.memory_space<vmem>> -> memref<1x1024xi32, #tpu.memory_space<vmem>>
        %dma_wait3A_88 = tpu.memref_squeeze %dma_wait3A_87 : memref<1x1024xi32, #tpu.memory_space<vmem>> -> memref<1024xi32, #tpu.memory_space<vmem>>
        %dma_wait3A_89 = arith.constant 0 : i32
        %dma_wait3A_90 = arith.constant 0 : i32
        %dma_wait3A_91 = tpu.memref_slice %arg17[%dma_wait3A_89, %dma_wait3A_90] : memref<10240x16xf32, #tpu.memory_space<vmem_shared>> -> memref<10240x16xf32, #tpu.memory_space<vmem_shared>>
        tpu.wait_indirect_dma semaphore(%run_scoped3A : memref<!tpu.dma_semaphore, #tpu.memory_space<semaphore_mem>>) src(%arg12 : memref<1024x16xf32, #tpu.memory_space<vmem>>) dst(%dma_wait3A_91 : memref<10240x16xf32, #tpu.memory_space<vmem_shared>>)
        tpu.yield
      }) : () -> ()
      %lt3A = arith.constant 9 : i32
      %lt3A_72 = arith.cmpi slt, %scan3A_57, %lt3A : i32
      %convert_element_type3A = arith.extui %lt3A_72 : i1 to i32
      %cond3A = arith.constant 0 : i32
      %cond3A_73 = arith.cmpi ne, %convert_element_type3A, %cond3A : i32
      scf.if %cond3A_73 {
        %add3A_80 = arith.constant 1 : i32
        %add3A_81 = arith.addi %add3A_60, %add3A_80 : i32
        %dma_start3A_82 = arith.constant 0 : i32
        %dma_start3A_83 = tpu.memref_slice %arg10[%add3A_81, %dma_start3A_82] : memref<20x1024xi32, #tpu.memory_space<vmem>> -> memref<1x1024xi32, #tpu.memory_space<vmem>>
        %dma_start3A_84 = tpu.memref_squeeze %dma_start3A_83 : memref<1x1024xi32, #tpu.memory_space<vmem>> -> memref<1024xi32, #tpu.memory_space<vmem>>
        %dma_start3A_85 = arith.constant 0 : i32
        %dma_start3A_86 = arith.constant 0 : i32
        %dma_start3A_87 = tpu.memref_slice %arg18[%dma_start3A_85, %dma_start3A_86] : memref<10240x16xf32, #tpu.memory_space<vmem_shared>> -> memref<10240x16xf32, #tpu.memory_space<vmem_shared>>
        tpu.enqueue_indirect_dma source(%dma_start3A_87 : memref<10240x16xf32, #tpu.memory_space<vmem_shared>>) target(%arg12 : memref<1024x16xf32, #tpu.memory_space<vmem>>) offsets(%dma_start3A_84 : memref<1024xi32, #tpu.memory_space<vmem>>) semaphore(%arg19 : memref<!tpu.dma_semaphore, #tpu.memory_space<semaphore_mem>>)
      } else {
      }
      %dma_wait3A_74 = arith.constant 0 : i32
      %dma_wait3A_75 = tpu.memref_slice %arg10[%add3A_60, %dma_wait3A_74] : memref<20x1024xi32, #tpu.memory_space<vmem>> -> memref<1x1024xi32, #tpu.memory_space<vmem>>
      %dma_wait3A_76 = tpu.memref_squeeze %dma_wait3A_75 : memref<1x1024xi32, #tpu.memory_space<vmem>> -> memref<1024xi32, #tpu.memory_space<vmem>>
      %dma_wait3A_77 = arith.constant 0 : i32
      %dma_wait3A_78 = arith.constant 0 : i32
      %dma_wait3A_79 = tpu.memref_slice %arg18[%dma_wait3A_77, %dma_wait3A_78] : memref<10240x16xf32, #tpu.memory_space<vmem_shared>> -> memref<10240x16xf32, #tpu.memory_space<vmem_shared>>
      tpu.wait_indirect_dma semaphore(%arg20 : memref<!tpu.dma_semaphore, #tpu.memory_space<semaphore_mem>>) src(%dma_wait3A_79 : memref<10240x16xf32, #tpu.memory_space<vmem_shared>>) dst(%arg13 : memref<1024x16xf32, #tpu.memory_space<vmem>>)
      "tpu.region"() ({
        %run_scoped3A = tpu.sem_alloc : memref<!tpu.dma_semaphore, #tpu.memory_space<semaphore_mem>>
        %dma_start3A_80 = arith.constant 0 : i32
        %dma_start3A_81 = tpu.memref_slice %arg11[%add3A_60, %dma_start3A_80] : memref<20x1024xi32, #tpu.memory_space<vmem>> -> memref<1x1024xi32, #tpu.memory_space<vmem>>
        %dma_start3A_82 = tpu.memref_squeeze %dma_start3A_81 : memref<1x1024xi32, #tpu.memory_space<vmem>> -> memref<1024xi32, #tpu.memory_space<vmem>>
        %dma_start3A_83 = arith.constant 0 : i32
        %dma_start3A_84 = arith.constant 0 : i32
        %dma_start3A_85 = tpu.memref_slice %arg17[%dma_start3A_83, %dma_start3A_84] : memref<10240x16xf32, #tpu.memory_space<vmem_shared>> -> memref<10240x16xf32, #tpu.memory_space<vmem_shared>>
        tpu.enqueue_indirect_dma source(%arg13 : memref<1024x16xf32, #tpu.memory_space<vmem>>) target(%dma_start3A_85 : memref<10240x16xf32, #tpu.memory_space<vmem_shared>>) offsets(%dma_start3A_82 : memref<1024xi32, #tpu.memory_space<vmem>>) semaphore(%run_scoped3A : memref<!tpu.dma_semaphore, #tpu.memory_space<semaphore_mem>>) {add = true}
        %dma_wait3A_86 = arith.constant 0 : i32
        %dma_wait3A_87 = tpu.memref_slice %arg11[%add3A_60, %dma_wait3A_86] : memref<20x1024xi32, #tpu.memory_space<vmem>> -> memref<1x1024xi32, #tpu.memory_space<vmem>>
        %dma_wait3A_88 = tpu.memref_squeeze %dma_wait3A_87 : memref<1x1024xi32, #tpu.memory_space<vmem>> -> memref<1024xi32, #tpu.memory_space<vmem>>
        %dma_wait3A_89 = arith.constant 0 : i32
        %dma_wait3A_90 = arith.constant 0 : i32
        %dma_wait3A_91 = tpu.memref_slice %arg17[%dma_wait3A_89, %dma_wait3A_90] : memref<10240x16xf32, #tpu.memory_space<vmem_shared>> -> memref<10240x16xf32, #tpu.memory_space<vmem_shared>>
        tpu.wait_indirect_dma semaphore(%run_scoped3A : memref<!tpu.dma_semaphore, #tpu.memory_space<semaphore_mem>>) src(%arg13 : memref<1024x16xf32, #tpu.memory_space<vmem>>) dst(%dma_wait3A_91 : memref<10240x16xf32, #tpu.memory_space<vmem_shared>>)
        tpu.yield
      }) : () -> ()
    }
    %scan3A_31 = arith.constant 10 : i32
    %barrier3A_32 = arith.constant 0 : index
    tpu.barrier barrier_id(%barrier3A_32)
    "tpu.region"() ({
      %run_scoped3A = tpu.sem_alloc : memref<!tpu.dma_semaphore, #tpu.memory_space<semaphore_mem>>
      %dma_start3A_57 = arith.constant 0 : i32
      %dma_start3A_58 = arith.constant 0 : i32
      %dma_start3A_59 = tpu.memref_slice %arg12[%dma_start3A_57, %dma_start3A_58] : memref<1024x16xf32, #tpu.memory_space<vmem>> -> memref<640x16xf32, #tpu.memory_space<vmem>>
      %dma_start3A_60 = arith.constant 0 : i32
      %dma_start3A_61 = tpu.memref_slice %arg17[%mul3A_0, %dma_start3A_60] : memref<10240x16xf32, #tpu.memory_space<vmem_shared>> -> memref<640x16xf32, #tpu.memory_space<vmem_shared>>
      %dma_start3A_62 = arith.constant 0 : i32
      %dma_start3A_63 = arith.constant 0 : i32
      %dma_start3A_64 = tpu.memref_slice %arg12[%dma_start3A_62, %dma_start3A_63] : memref<1024x16xf32, #tpu.memory_space<vmem>> -> memref<640x16xf32, #tpu.memory_space<vmem>>
      %dma_start3A_65 = arith.constant 0 : i32
      %dma_start3A_66 = tpu.memref_slice %arg17[%mul3A_0, %dma_start3A_65] : memref<10240x16xf32, #tpu.memory_space<vmem_shared>> -> memref<640x16xf32, #tpu.memory_space<vmem_shared>>
      tpu.enqueue_dma source(%dma_start3A_66 : memref<640x16xf32, #tpu.memory_space<vmem_shared>>) target(%dma_start3A_64 : memref<640x16xf32, #tpu.memory_space<vmem>>) target_semaphore(%run_scoped3A : memref<!tpu.dma_semaphore, #tpu.memory_space<semaphore_mem>>)
      %dma_wait3A = arith.constant 0 : i32
      %dma_wait3A_67 = arith.constant 0 : i32
      %dma_wait3A_68 = tpu.memref_slice %arg12[%dma_wait3A, %dma_wait3A_67] : memref<1024x16xf32, #tpu.memory_space<vmem>> -> memref<640x16xf32, #tpu.memory_space<vmem>>
      %dma_wait3A_69 = arith.constant 0 : i32
      %dma_wait3A_70 = tpu.memref_slice %arg17[%mul3A_0, %dma_wait3A_69] : memref<10240x16xf32, #tpu.memory_space<vmem_shared>> -> memref<640x16xf32, #tpu.memory_space<vmem_shared>>
      %dma_wait3A_71 = arith.constant 0 : i32
      %dma_wait3A_72 = arith.constant 0 : i32
      %dma_wait3A_73 = tpu.memref_slice %arg12[%dma_wait3A_71, %dma_wait3A_72] : memref<1024x16xf32, #tpu.memory_space<vmem>> -> memref<640x16xf32, #tpu.memory_space<vmem>>
      %dma_wait3A_74 = arith.constant 0 : i32
      %dma_wait3A_75 = tpu.memref_slice %arg17[%mul3A_0, %dma_wait3A_74] : memref<10240x16xf32, #tpu.memory_space<vmem_shared>> -> memref<640x16xf32, #tpu.memory_space<vmem_shared>>
      tpu.wait_dma2 semaphore(%run_scoped3A : memref<!tpu.dma_semaphore, #tpu.memory_space<semaphore_mem>>) src(%dma_wait3A_75 : memref<640x16xf32, #tpu.memory_space<vmem_shared>>) dst(%dma_wait3A_73 : memref<640x16xf32, #tpu.memory_space<vmem>>)
      tpu.yield
    }) : () -> ()
    %get3A = arith.constant 0 : i32
    %get3A_33 = arith.index_cast %get3A : i32 to index
    %get3A_34 = arith.constant 0 : index
    %get3A_35 = tpu.vector_load %arg16[%get3A_33, %get3A_34] {strides = array<i32>} : memref<1x16xf32, #tpu.memory_space<vmem>>, vector<16xf32>,
    %scan3A_36 = arith.constant 0 : i32
    %scan3A_37 = arith.constant 0 : i32
    %scan3A_38 = arith.constant 640 : i32
    %scan3A_39 = arith.addi %scan3A_37, %scan3A_38 : i32
    %scan3A_40 = arith.constant 1 : i32
    scf.for %scan3A_57 = %scan3A_37 to %scan3A_39 step %scan3A_40  : i32 {
      %get3A_58 = arith.constant 0 : i32
      %get3A_59 = arith.constant 0 : i32
      %get3A_60 = tpu.memref_slice %arg12[%get3A_58, %get3A_59] : memref<1024x16xf32, #tpu.memory_space<vmem>> -> memref<640x16xf32, #tpu.memory_space<vmem>>
      %get3A_61 = arith.index_cast %scan3A_57 : i32 to index
      %get3A_62 = arith.constant 0 : index
      %get3A_63 = tpu.vector_load %get3A_60[%get3A_61, %get3A_62] {strides = array<i32>} : memref<640x16xf32, #tpu.memory_space<vmem>>, vector<16xf32>,
      %get3A_64 = arith.index_cast %scan3A_57 : i32 to index
      %get3A_65 = arith.constant 0 : index
      %get3A_66 = tpu.vector_load %arg14[%get3A_64, %get3A_65] {strides = array<i32>} : memref<640x16xf32, #tpu.memory_space<vmem>>, vector<16xf32>,
      %add3A = arith.addf %get3A_63, %get3A_66 : vector<16xf32>
      %get3A_67 = arith.index_cast %scan3A_57 : i32 to index
      %get3A_68 = arith.constant 0 : index
      %get3A_69 = tpu.vector_load %arg15[%get3A_67, %get3A_68] {strides = array<i32>} : memref<640x16xf32, #tpu.memory_space<vmem>>, vector<16xf32>,
      %mul3A_70 = arith.mulf %add3A, %get3A_69 : vector<16xf32>
      %add3A_71 = arith.addf %mul3A_70, %get3A_35 : vector<16xf32>
      %max3A = arith.constant 0.000000e+00 : f32
      %max3A_72 = vector.broadcast %max3A : f32 to vector<16xf32>
      %max3A_73 = arith.maximumf %add3A_71, %max3A_72 : vector<16xf32>
      %mul3A_74 = arith.mulf %max3A_73, %get3A_69 : vector<16xf32>
      %swap3A = arith.index_cast %scan3A_57 : i32 to index
      %swap3A_75 = arith.constant 0 : index
      %swap3A_76 = tpu.vector_load %arg14[%swap3A, %swap3A_75] {strides = array<i32>} : memref<640x16xf32, #tpu.memory_space<vmem>>, vector<16xf32>,
      tpu.vector_store %arg14[%swap3A, %swap3A_75], %mul3A_74 {strides = array<i32>} : memref<640x16xf32, #tpu.memory_space<vmem>>, vector<16xf32>,
    }
    %scan3A_41 = arith.constant 640 : i32
    "tpu.region"() ({
      %run_scoped3A = tpu.sem_alloc : memref<!tpu.dma_semaphore, #tpu.memory_space<semaphore_mem>>
      %dma_start3A_57 = arith.constant 0 : i32
      %dma_start3A_58 = tpu.memref_slice %arg18[%mul3A_0, %dma_start3A_57] : memref<10240x16xf32, #tpu.memory_space<vmem_shared>> -> memref<640x16xf32, #tpu.memory_space<vmem_shared>>
      %dma_start3A_59 = arith.constant 0 : i32
      %dma_start3A_60 = tpu.memref_slice %arg18[%mul3A_0, %dma_start3A_59] : memref<10240x16xf32, #tpu.memory_space<vmem_shared>> -> memref<640x16xf32, #tpu.memory_space<vmem_shared>>
      tpu.enqueue_dma source(%arg14 : memref<640x16xf32, #tpu.memory_space<vmem>>) target(%dma_start3A_60 : memref<640x16xf32, #tpu.memory_space<vmem_shared>>) target_semaphore(%run_scoped3A : memref<!tpu.dma_semaphore, #tpu.memory_space<semaphore_mem>>)
      %dma_wait3A = arith.constant 0 : i32
      %dma_wait3A_61 = tpu.memref_slice %arg18[%mul3A_0, %dma_wait3A] : memref<10240x16xf32, #tpu.memory_space<vmem_shared>> -> memref<640x16xf32, #tpu.memory_space<vmem_shared>>
      %dma_wait3A_62 = arith.constant 0 : i32
      %dma_wait3A_63 = tpu.memref_slice %arg18[%mul3A_0, %dma_wait3A_62] : memref<10240x16xf32, #tpu.memory_space<vmem_shared>> -> memref<640x16xf32, #tpu.memory_space<vmem_shared>>
      tpu.wait_dma2 semaphore(%run_scoped3A : memref<!tpu.dma_semaphore, #tpu.memory_space<semaphore_mem>>) src(%arg14 : memref<640x16xf32, #tpu.memory_space<vmem>>) dst(%dma_wait3A_63 : memref<640x16xf32, #tpu.memory_space<vmem_shared>>)
      tpu.yield
    }) : () -> ()
    "tpu.region"() ({
      %run_scoped3A = tpu.sem_alloc : memref<!tpu.dma_semaphore, #tpu.memory_space<semaphore_mem>>
      %dma_start3A_57 = arith.constant 0 : i32
      %dma_start3A_58 = tpu.memref_slice %arg8[%mul3A_0, %dma_start3A_57] : memref<10240x16xf32, #tpu.memory_space<hbm>> -> memref<640x16xf32, #tpu.memory_space<hbm>>
      %dma_start3A_59 = arith.constant 0 : i32
      %dma_start3A_60 = tpu.memref_slice %arg8[%mul3A_0, %dma_start3A_59] : memref<10240x16xf32, #tpu.memory_space<hbm>> -> memref<640x16xf32, #tpu.memory_space<hbm>>
      tpu.enqueue_dma source(%arg14 : memref<640x16xf32, #tpu.memory_space<vmem>>) target(%dma_start3A_60 : memref<640x16xf32, #tpu.memory_space<hbm>>) target_semaphore(%run_scoped3A : memref<!tpu.dma_semaphore, #tpu.memory_space<semaphore_mem>>)
      %dma_wait3A = arith.constant 0 : i32
      %dma_wait3A_61 = tpu.memref_slice %arg8[%mul3A_0, %dma_wait3A] : memref<10240x16xf32, #tpu.memory_space<hbm>> -> memref<640x16xf32, #tpu.memory_space<hbm>>
      %dma_wait3A_62 = arith.constant 0 : i32
      %dma_wait3A_63 = tpu.memref_slice %arg8[%mul3A_0, %dma_wait3A_62] : memref<10240x16xf32, #tpu.memory_space<hbm>> -> memref<640x16xf32, #tpu.memory_space<hbm>>
      tpu.wait_dma2 semaphore(%run_scoped3A : memref<!tpu.dma_semaphore, #tpu.memory_space<semaphore_mem>>) src(%arg14 : memref<640x16xf32, #tpu.memory_space<vmem>>) dst(%dma_wait3A_63 : memref<640x16xf32, #tpu.memory_space<hbm>>)
      tpu.yield
    }) : () -> ()
    "tpu.region"() ({
      %run_scoped3A = tpu.sem_alloc : memref<!tpu.dma_semaphore, #tpu.memory_space<semaphore_mem>>
      %dma_start3A_57 = arith.constant 0 : i32
      %dma_start3A_58 = tpu.memref_slice %arg17[%mul3A_0, %dma_start3A_57] : memref<10240x16xf32, #tpu.memory_space<vmem_shared>> -> memref<640x16xf32, #tpu.memory_space<vmem_shared>>
      tpu.enqueue_dma source(%arg4 : memref<640x16xf32, #tpu.memory_space<hbm>>) target(%dma_start3A_58 : memref<640x16xf32, #tpu.memory_space<vmem_shared>>) target_semaphore(%run_scoped3A : memref<!tpu.dma_semaphore, #tpu.memory_space<semaphore_mem>>)
      %dma_wait3A = arith.constant 0 : i32
      %dma_wait3A_59 = tpu.memref_slice %arg17[%mul3A_0, %dma_wait3A] : memref<10240x16xf32, #tpu.memory_space<vmem_shared>> -> memref<640x16xf32, #tpu.memory_space<vmem_shared>>
      tpu.wait_dma2 semaphore(%run_scoped3A : memref<!tpu.dma_semaphore, #tpu.memory_space<semaphore_mem>>) src(%arg4 : memref<640x16xf32, #tpu.memory_space<hbm>>) dst(%dma_wait3A_59 : memref<640x16xf32, #tpu.memory_space<vmem_shared>>)
      tpu.yield
    }) : () -> ()
    %barrier3A_42 = arith.constant 0 : index
    tpu.barrier barrier_id(%barrier3A_42)
    %dma_start3A_43 = arith.constant 0 : i32
    %dma_start3A_44 = arith.constant 0 : i32
    %dma_start3A_45 = tpu.memref_slice %arg10[%dma_start3A_43, %dma_start3A_44] : memref<20x1024xi32, #tpu.memory_space<vmem>> -> memref<1x1024xi32, #tpu.memory_space<vmem>>
    %dma_start3A_46 = tpu.memref_squeeze %dma_start3A_45 : memref<1x1024xi32, #tpu.memory_space<vmem>> -> memref<1024xi32, #tpu.memory_space<vmem>>
    %dma_start3A_47 = arith.constant 0 : i32
    %dma_start3A_48 = arith.constant 0 : i32
    %dma_start3A_49 = tpu.memref_slice %arg18[%dma_start3A_47, %dma_start3A_48] : memref<10240x16xf32, #tpu.memory_space<vmem_shared>> -> memref<10240x16xf32, #tpu.memory_space<vmem_shared>>
    tpu.enqueue_indirect_dma source(%dma_start3A_49 : memref<10240x16xf32, #tpu.memory_space<vmem_shared>>) target(%arg12 : memref<1024x16xf32, #tpu.memory_space<vmem>>) offsets(%dma_start3A_46 : memref<1024xi32, #tpu.memory_space<vmem>>) semaphore(%arg19 : memref<!tpu.dma_semaphore, #tpu.memory_space<semaphore_mem>>)
    %scan3A_50 = arith.constant 0 : i32
    %scan3A_51 = arith.constant 0 : i32
    %scan3A_52 = arith.constant 10 : i32
    %scan3A_53 = arith.addi %scan3A_51, %scan3A_52 : i32
    %scan3A_54 = arith.constant 1 : i32
    scf.for %scan3A_57 = %scan3A_51 to %scan3A_53 step %scan3A_54  : i32 {
      %mul3A_58 = arith.constant 2 : i32
      %mul3A_59 = arith.muli %mul3A_58, %scan3A_57 : i32
      %add3A = arith.constant 1 : i32
      %add3A_60 = arith.addi %mul3A_59, %add3A : i32
      %dma_start3A_61 = arith.constant 0 : i32
      %dma_start3A_62 = tpu.memref_slice %arg10[%add3A_60, %dma_start3A_61] : memref<20x1024xi32, #tpu.memory_space<vmem>> -> memref<1x1024xi32, #tpu.memory_space<vmem>>
      %dma_start3A_63 = tpu.memref_squeeze %dma_start3A_62 : memref<1x1024xi32, #tpu.memory_space<vmem>> -> memref<1024xi32, #tpu.memory_space<vmem>>
      %dma_start3A_64 = arith.constant 0 : i32
      %dma_start3A_65 = arith.constant 0 : i32
      %dma_start3A_66 = tpu.memref_slice %arg18[%dma_start3A_64, %dma_start3A_65] : memref<10240x16xf32, #tpu.memory_space<vmem_shared>> -> memref<10240x16xf32, #tpu.memory_space<vmem_shared>>
      tpu.enqueue_indirect_dma source(%dma_start3A_66 : memref<10240x16xf32, #tpu.memory_space<vmem_shared>>) target(%arg13 : memref<1024x16xf32, #tpu.memory_space<vmem>>) offsets(%dma_start3A_63 : memref<1024xi32, #tpu.memory_space<vmem>>) semaphore(%arg20 : memref<!tpu.dma_semaphore, #tpu.memory_space<semaphore_mem>>)
      %dma_wait3A = arith.constant 0 : i32
      %dma_wait3A_67 = tpu.memref_slice %arg10[%mul3A_59, %dma_wait3A] : memref<20x1024xi32, #tpu.memory_space<vmem>> -> memref<1x1024xi32, #tpu.memory_space<vmem>>
      %dma_wait3A_68 = tpu.memref_squeeze %dma_wait3A_67 : memref<1x1024xi32, #tpu.memory_space<vmem>> -> memref<1024xi32, #tpu.memory_space<vmem>>
      %dma_wait3A_69 = arith.constant 0 : i32
      %dma_wait3A_70 = arith.constant 0 : i32
      %dma_wait3A_71 = tpu.memref_slice %arg18[%dma_wait3A_69, %dma_wait3A_70] : memref<10240x16xf32, #tpu.memory_space<vmem_shared>> -> memref<10240x16xf32, #tpu.memory_space<vmem_shared>>
      tpu.wait_indirect_dma semaphore(%arg19 : memref<!tpu.dma_semaphore, #tpu.memory_space<semaphore_mem>>) src(%dma_wait3A_71 : memref<10240x16xf32, #tpu.memory_space<vmem_shared>>) dst(%arg12 : memref<1024x16xf32, #tpu.memory_space<vmem>>)
      "tpu.region"() ({
        %run_scoped3A = tpu.sem_alloc : memref<!tpu.dma_semaphore, #tpu.memory_space<semaphore_mem>>
        %dma_start3A_80 = arith.constant 0 : i32
        %dma_start3A_81 = tpu.memref_slice %arg11[%mul3A_59, %dma_start3A_80] : memref<20x1024xi32, #tpu.memory_space<vmem>> -> memref<1x1024xi32, #tpu.memory_space<vmem>>
        %dma_start3A_82 = tpu.memref_squeeze %dma_start3A_81 : memref<1x1024xi32, #tpu.memory_space<vmem>> -> memref<1024xi32, #tpu.memory_space<vmem>>
        %dma_start3A_83 = arith.constant 0 : i32
        %dma_start3A_84 = arith.constant 0 : i32
        %dma_start3A_85 = tpu.memref_slice %arg17[%dma_start3A_83, %dma_start3A_84] : memref<10240x16xf32, #tpu.memory_space<vmem_shared>> -> memref<10240x16xf32, #tpu.memory_space<vmem_shared>>
        tpu.enqueue_indirect_dma source(%arg12 : memref<1024x16xf32, #tpu.memory_space<vmem>>) target(%dma_start3A_85 : memref<10240x16xf32, #tpu.memory_space<vmem_shared>>) offsets(%dma_start3A_82 : memref<1024xi32, #tpu.memory_space<vmem>>) semaphore(%run_scoped3A : memref<!tpu.dma_semaphore, #tpu.memory_space<semaphore_mem>>) {add = true}
        %dma_wait3A_86 = arith.constant 0 : i32
        %dma_wait3A_87 = tpu.memref_slice %arg11[%mul3A_59, %dma_wait3A_86] : memref<20x1024xi32, #tpu.memory_space<vmem>> -> memref<1x1024xi32, #tpu.memory_space<vmem>>
        %dma_wait3A_88 = tpu.memref_squeeze %dma_wait3A_87 : memref<1x1024xi32, #tpu.memory_space<vmem>> -> memref<1024xi32, #tpu.memory_space<vmem>>
        %dma_wait3A_89 = arith.constant 0 : i32
        %dma_wait3A_90 = arith.constant 0 : i32
        %dma_wait3A_91 = tpu.memref_slice %arg17[%dma_wait3A_89, %dma_wait3A_90] : memref<10240x16xf32, #tpu.memory_space<vmem_shared>> -> memref<10240x16xf32, #tpu.memory_space<vmem_shared>>
        tpu.wait_indirect_dma semaphore(%run_scoped3A : memref<!tpu.dma_semaphore, #tpu.memory_space<semaphore_mem>>) src(%arg12 : memref<1024x16xf32, #tpu.memory_space<vmem>>) dst(%dma_wait3A_91 : memref<10240x16xf32, #tpu.memory_space<vmem_shared>>)
        tpu.yield
      }) : () -> ()
      %lt3A = arith.constant 9 : i32
      %lt3A_72 = arith.cmpi slt, %scan3A_57, %lt3A : i32
      %convert_element_type3A = arith.extui %lt3A_72 : i1 to i32
      %cond3A = arith.constant 0 : i32
      %cond3A_73 = arith.cmpi ne, %convert_element_type3A, %cond3A : i32
      scf.if %cond3A_73 {
        %add3A_80 = arith.constant 1 : i32
        %add3A_81 = arith.addi %add3A_60, %add3A_80 : i32
        %dma_start3A_82 = arith.constant 0 : i32
        %dma_start3A_83 = tpu.memref_slice %arg10[%add3A_81, %dma_start3A_82] : memref<20x1024xi32, #tpu.memory_space<vmem>> -> memref<1x1024xi32, #tpu.memory_space<vmem>>
        %dma_start3A_84 = tpu.memref_squeeze %dma_start3A_83 : memref<1x1024xi32, #tpu.memory_space<vmem>> -> memref<1024xi32, #tpu.memory_space<vmem>>
        %dma_start3A_85 = arith.constant 0 : i32
        %dma_start3A_86 = arith.constant 0 : i32
        %dma_start3A_87 = tpu.memref_slice %arg18[%dma_start3A_85, %dma_start3A_86] : memref<10240x16xf32, #tpu.memory_space<vmem_shared>> -> memref<10240x16xf32, #tpu.memory_space<vmem_shared>>
        tpu.enqueue_indirect_dma source(%dma_start3A_87 : memref<10240x16xf32, #tpu.memory_space<vmem_shared>>) target(%arg12 : memref<1024x16xf32, #tpu.memory_space<vmem>>) offsets(%dma_start3A_84 : memref<1024xi32, #tpu.memory_space<vmem>>) semaphore(%arg19 : memref<!tpu.dma_semaphore, #tpu.memory_space<semaphore_mem>>)
      } else {
      }
      %dma_wait3A_74 = arith.constant 0 : i32
      %dma_wait3A_75 = tpu.memref_slice %arg10[%add3A_60, %dma_wait3A_74] : memref<20x1024xi32, #tpu.memory_space<vmem>> -> memref<1x1024xi32, #tpu.memory_space<vmem>>
      %dma_wait3A_76 = tpu.memref_squeeze %dma_wait3A_75 : memref<1x1024xi32, #tpu.memory_space<vmem>> -> memref<1024xi32, #tpu.memory_space<vmem>>
      %dma_wait3A_77 = arith.constant 0 : i32
      %dma_wait3A_78 = arith.constant 0 : i32
      %dma_wait3A_79 = tpu.memref_slice %arg18[%dma_wait3A_77, %dma_wait3A_78] : memref<10240x16xf32, #tpu.memory_space<vmem_shared>> -> memref<10240x16xf32, #tpu.memory_space<vmem_shared>>
      tpu.wait_indirect_dma semaphore(%arg20 : memref<!tpu.dma_semaphore, #tpu.memory_space<semaphore_mem>>) src(%dma_wait3A_79 : memref<10240x16xf32, #tpu.memory_space<vmem_shared>>) dst(%arg13 : memref<1024x16xf32, #tpu.memory_space<vmem>>)
      "tpu.region"() ({
        %run_scoped3A = tpu.sem_alloc : memref<!tpu.dma_semaphore, #tpu.memory_space<semaphore_mem>>
        %dma_start3A_80 = arith.constant 0 : i32
        %dma_start3A_81 = tpu.memref_slice %arg11[%add3A_60, %dma_start3A_80] : memref<20x1024xi32, #tpu.memory_space<vmem>> -> memref<1x1024xi32, #tpu.memory_space<vmem>>
        %dma_start3A_82 = tpu.memref_squeeze %dma_start3A_81 : memref<1x1024xi32, #tpu.memory_space<vmem>> -> memref<1024xi32, #tpu.memory_space<vmem>>
        %dma_start3A_83 = arith.constant 0 : i32
        %dma_start3A_84 = arith.constant 0 : i32
        %dma_start3A_85 = tpu.memref_slice %arg17[%dma_start3A_83, %dma_start3A_84] : memref<10240x16xf32, #tpu.memory_space<vmem_shared>> -> memref<10240x16xf32, #tpu.memory_space<vmem_shared>>
        tpu.enqueue_indirect_dma source(%arg13 : memref<1024x16xf32, #tpu.memory_space<vmem>>) target(%dma_start3A_85 : memref<10240x16xf32, #tpu.memory_space<vmem_shared>>) offsets(%dma_start3A_82 : memref<1024xi32, #tpu.memory_space<vmem>>) semaphore(%run_scoped3A : memref<!tpu.dma_semaphore, #tpu.memory_space<semaphore_mem>>) {add = true}
        %dma_wait3A_86 = arith.constant 0 : i32
        %dma_wait3A_87 = tpu.memref_slice %arg11[%add3A_60, %dma_wait3A_86] : memref<20x1024xi32, #tpu.memory_space<vmem>> -> memref<1x1024xi32, #tpu.memory_space<vmem>>
        %dma_wait3A_88 = tpu.memref_squeeze %dma_wait3A_87 : memref<1x1024xi32, #tpu.memory_space<vmem>> -> memref<1024xi32, #tpu.memory_space<vmem>>
        %dma_wait3A_89 = arith.constant 0 : i32
        %dma_wait3A_90 = arith.constant 0 : i32
        %dma_wait3A_91 = tpu.memref_slice %arg17[%dma_wait3A_89, %dma_wait3A_90] : memref<10240x16xf32, #tpu.memory_space<vmem_shared>> -> memref<10240x16xf32, #tpu.memory_space<vmem_shared>>
        tpu.wait_indirect_dma semaphore(%run_scoped3A : memref<!tpu.dma_semaphore, #tpu.memory_space<semaphore_mem>>) src(%arg13 : memref<1024x16xf32, #tpu.memory_space<vmem>>) dst(%dma_wait3A_91 : memref<10240x16xf32, #tpu.memory_space<vmem_shared>>)
        tpu.yield
      }) : () -> ()
    }
    %scan3A_55 = arith.constant 10 : i32
    %barrier3A_56 = arith.constant 0 : index
    tpu.barrier barrier_id(%barrier3A_56)
    "tpu.region"() ({
      %run_scoped3A = tpu.sem_alloc : memref<!tpu.dma_semaphore, #tpu.memory_space<semaphore_mem>>
      %dma_start3A_57 = arith.constant 0 : i32
      %dma_start3A_58 = tpu.memref_slice %arg7[%mul3A_0, %dma_start3A_57] : memref<10240x16xf32, #tpu.memory_space<hbm>> -> memref<640x16xf32, #tpu.memory_space<hbm>>
      %dma_start3A_59 = arith.constant 0 : i32
      %dma_start3A_60 = tpu.memref_slice %arg17[%mul3A_0, %dma_start3A_59] : memref<10240x16xf32, #tpu.memory_space<vmem_shared>> -> memref<640x16xf32, #tpu.memory_space<vmem_shared>>
      tpu.enqueue_dma source(%dma_start3A_60 : memref<640x16xf32, #tpu.memory_space<vmem_shared>>) target(%dma_start3A_58 : memref<640x16xf32, #tpu.memory_space<hbm>>) target_semaphore(%run_scoped3A : memref<!tpu.dma_semaphore, #tpu.memory_space<semaphore_mem>>)
      %dma_wait3A = arith.constant 0 : i32
      %dma_wait3A_61 = tpu.memref_slice %arg7[%mul3A_0, %dma_wait3A] : memref<10240x16xf32, #tpu.memory_space<hbm>> -> memref<640x16xf32, #tpu.memory_space<hbm>>
      %dma_wait3A_62 = arith.constant 0 : i32
      %dma_wait3A_63 = tpu.memref_slice %arg17[%mul3A_0, %dma_wait3A_62] : memref<10240x16xf32, #tpu.memory_space<vmem_shared>> -> memref<640x16xf32, #tpu.memory_space<vmem_shared>>
      tpu.wait_dma2 semaphore(%run_scoped3A : memref<!tpu.dma_semaphore, #tpu.memory_space<semaphore_mem>>) src(%dma_wait3A_63 : memref<640x16xf32, #tpu.memory_space<vmem_shared>>) dst(%dma_wait3A_61 : memref<640x16xf32, #tpu.memory_space<hbm>>)
      tpu.yield
    }) : () -> ()
    return
  }
}

module attributes {stable_mosaic.version = 14 : i64} {
  func.func @_tc_a_body(%arg0: memref<10000x128xf32, #tpu.memory_space<vmem>>, %arg1: memref<128x16xf32, #tpu.memory_space<vmem>>, %arg2: memref<10240x16xf32, #tpu.memory_space<vmem>>) attributes {dimension_semantics = [], scalar_prefetch = 0 : i64, scratch_operands = 0 : i64, tpu.core_type = #tpu.core_type<tc>} {
    %get3A = arith.constant 0 : index
    %get3A_0 = arith.constant 0 : index
    %get3A_1 = vector.load %arg0[%get3A, %get3A_0] : memref<10000x128xf32, #tpu.memory_space<vmem>>, vector<10000x128xf32>
    %get3A_2 = arith.constant 0 : index
    %get3A_3 = arith.constant 0 : index
    %get3A_4 = vector.load %arg1[%get3A_2, %get3A_3] : memref<128x16xf32, #tpu.memory_space<vmem>>, vector<128x16xf32>
    %dot_general3A = arith.constant dense<0.000000e+00> : vector<10000x16xf32>
    %dot_general3A_5 = tpu.matmul %get3A_1, %get3A_4, %dot_general3A {dimension_numbers = #tpu.dot_dimension_numbers<[1], [0], [0], [1], [0, 0, 1, 1], [], []>, precision = #tpu.contract_precision<fp32>, transpose_lhs_hint = false} : vector<10000x128xf32>, vector<128x16xf32>, vector<10000x16xf32> -> vector<10000x16xf32>
    %swap3A = arith.constant 0 : index
    %swap3A_6 = arith.constant 0 : index
    %swap3A_7 = vector.load %arg2[%swap3A, %swap3A_6] : memref<10240x16xf32, #tpu.memory_space<vmem>>, vector<10000x16xf32>
    tpu.vector_store %arg2[%swap3A, %swap3A_6], %dot_general3A_5 {strides = array<i32>} : memref<10240x16xf32, #tpu.memory_space<vmem>>, vector<10000x16xf32>,
    %broadcast_in_dim3A = arith.constant 0.000000e+00 : f32
    %broadcast_in_dim3A_8 = vector.broadcast %broadcast_in_dim3A : f32 to vector<240x16xf32>
    %swap3A_9 = arith.constant 10000 : index
    %swap3A_10 = arith.constant 0 : index
    %swap3A_11 = vector.load %arg2[%swap3A_9, %swap3A_10] : memref<10240x16xf32, #tpu.memory_space<vmem>>, vector<240x16xf32>
    tpu.vector_store %arg2[%swap3A_9, %swap3A_10], %broadcast_in_dim3A_8 {strides = array<i32>} : memref<10240x16xf32, #tpu.memory_space<vmem>>, vector<240x16xf32>,
    return
  }
}

module attributes {stable_mosaic.version = 14 : i64} {
  func.func @_tc_e_body(%arg0: memref<10240x16xf32, #tpu.memory_space<vmem>>, %arg1: memref<10240x16xf32, #tpu.memory_space<vmem>>, %arg2: memref<10240x16xf32, #tpu.memory_space<vmem>>, %arg3: memref<16x20xf32, #tpu.memory_space<vmem>>, %arg4: memref<1x20xf32, #tpu.memory_space<vmem>>, %arg5: memref<10000x20xf32, #tpu.memory_space<vmem>>) attributes {dimension_semantics = [], scalar_prefetch = 0 : i64, scratch_operands = 0 : i64, tpu.core_type = #tpu.core_type<tc>} {
    %get3A = arith.constant 0 : index
    %get3A_0 = arith.constant 0 : index
    %get3A_1 = vector.load %arg0[%get3A, %get3A_0] : memref<10240x16xf32, #tpu.memory_space<vmem>>, vector<10000x16xf32>
    %get3A_2 = arith.constant 0 : index
    %get3A_3 = arith.constant 0 : index
    %get3A_4 = vector.load %arg1[%get3A_2, %get3A_3] : memref<10240x16xf32, #tpu.memory_space<vmem>>, vector<10000x16xf32>
    %add3A = arith.addf %get3A_1, %get3A_4 : vector<10000x16xf32>
    %get3A_5 = arith.constant 0 : index
    %get3A_6 = arith.constant 0 : index
    %get3A_7 = vector.load %arg3[%get3A_5, %get3A_6] : memref<16x20xf32, #tpu.memory_space<vmem>>, vector<16x20xf32>
    %dot_general3A = arith.constant dense<0.000000e+00> : vector<10000x20xf32>
    %dot_general3A_8 = tpu.matmul %add3A, %get3A_7, %dot_general3A {dimension_numbers = #tpu.dot_dimension_numbers<[1], [0], [0], [1], [0, 0, 1, 1], [], []>, precision = #tpu.contract_precision<fp32>, transpose_lhs_hint = false} : vector<10000x16xf32>, vector<16x20xf32>, vector<10000x20xf32> -> vector<10000x20xf32>
    %get3A_9 = arith.constant 0 : index
    %get3A_10 = arith.constant 0 : index
    %get3A_11 = vector.load %arg2[%get3A_9, %get3A_10] : memref<10240x16xf32, #tpu.memory_space<vmem>>, vector<10000x1xf32>
    %mul3A = vector.broadcast %get3A_11 : vector<10000x1xf32> to vector<10000x20xf32>
    %mul3A_12 = arith.mulf %dot_general3A_8, %mul3A : vector<10000x20xf32>
    %get3A_13 = arith.constant 0 : index
    %get3A_14 = arith.constant 0 : index
    %get3A_15 = vector.load %arg4[%get3A_13, %get3A_14] : memref<1x20xf32, #tpu.memory_space<vmem>>, vector<1x20xf32>
    %add3A_16 = vector.broadcast %get3A_15 : vector<1x20xf32> to vector<10000x20xf32>
    %add3A_17 = arith.addf %mul3A_12, %add3A_16 : vector<10000x20xf32>
    %reduce_max3A = arith.constant dense<0xFF800000> : vector<10000xf32>
    %reduce_max3A_18 = vector.multi_reduction <maximumf>, %add3A_17, %reduce_max3A [1] : vector<10000x20xf32> to vector<10000xf32>
    %broadcast_in_dim3A = vector.shape_cast %reduce_max3A_18 : vector<10000xf32> to vector<10000x1xf32>
    %sub3A = vector.broadcast %broadcast_in_dim3A : vector<10000x1xf32> to vector<10000x20xf32>
    %sub3A_19 = arith.subf %add3A_17, %sub3A : vector<10000x20xf32>
    %exp3A = math.exp %sub3A_19 : vector<10000x20xf32>
    %reduce_sum3A = arith.constant dense<0.000000e+00> : vector<10000xf32>
    %reduce_sum3A_20 = vector.multi_reduction <add>, %exp3A, %reduce_sum3A [1] : vector<10000x20xf32> to vector<10000xf32>
    %broadcast_in_dim3A_21 = vector.shape_cast %reduce_sum3A_20 : vector<10000xf32> to vector<10000x1xf32>
    %log3A = math.log %broadcast_in_dim3A_21 : vector<10000x1xf32>
    %add3A_22 = arith.addf %broadcast_in_dim3A, %log3A : vector<10000x1xf32>
    %sub3A_23 = vector.broadcast %add3A_22 : vector<10000x1xf32> to vector<10000x20xf32>
    %sub3A_24 = arith.subf %add3A_17, %sub3A_23 : vector<10000x20xf32>
    %swap3A = arith.constant 0 : index
    %swap3A_25 = arith.constant 0 : index
    %swap3A_26 = vector.load %arg5[%swap3A, %swap3A_25] : memref<10000x20xf32, #tpu.memory_space<vmem>>, vector<10000x20xf32>
    tpu.vector_store %arg5[%swap3A, %swap3A_25], %sub3A_24 {strides = array<i32>} : memref<10000x20xf32, #tpu.memory_space<vmem>>, vector<10000x20xf32>,
    return
  }
}

</mosaic_0001>

<sc_bundles>
// kernel: kernel.5.cloned.1.call-start
scs
__scs_entry_jumppad:
0x0: {  	(pc) =	sbr.rel $0x88, $3  }
0x1: {  	(tag) =	ssettag $0x0;
	lr =	simm.s32 $0x1  }
0x2: {  	[smem:$0x3F9B] =	sst lr;
	_ =	strace $0xD0000000  }
0x3: {  	_ = 	snop  }
0x4: {  	_ = 	snop  }
0x5: {  	_ = 	snop  }
0x6: {  	_ = 	snop  }
0x7: {  	_ = 	snop  }
__scs_overlays_trampoline_lowered:
0x8: {  	[smem:$0x3FAA] =	sst s0  }
0x9: {  	[smem:$0x3FAB] =	sst s1  }
0xa: {  	[smem:$0x3FAC] =	sst s2  }
0xb: {  	[smem:$0x3FAD] =	sst s3  }
0xc: {  	[smem:$0x3FAE] =	sst s4  }
0xd: {  	[smem:$0x3FAF] =	sst s5  }
0xe: {  	[smem:$0x3FB0] =	sst s6  }
0xf: {  	[smem:$0x3FB1] =	sst s7  }
0x10: {  	[smem:$0x3FB2] =	sst s8  }
0x11: {  	[smem:$0x3FB3] =	sst s9;
	s0 =	simm.s32 @!p0 $0x0  }
0x12: {  	s1 =	sld [smem:$0x3F99];
	s0 =	simm.s32 @p0 $0x1  }
0x13: {  	[smem:$0x3FB4] =	sst s0;
	s0 =	simm.s32 @!p1 $0x0  }
0x14: {  	s2 =	sld [smem:$0x3F98];
	s0 =	simm.s32 @p1 $0x1  }
0x15: {  	[smem:$0x3FB5] =	sst s0;
	s0 =	simm.s32 @!p2 $0x0  }
0x16: {  	s3 =	sld [smem:$0x3FDB];
	s0 =	simm.s32 @p2 $0x1  }
0x17: {  	s4 =	simm.s32 $0x1BF5;
	[smem:$0x3FB7] =	sst s0  }
0x18: {  	s0 =	sld [smem:$0x3F9A];
	_ =	swait.ge [sflag:s4], $0x0  }
0x19: {  	s7 =	sld [smem:$0x3F9B]  }
0x1a: {  	s8 =	sadd.s32 $0xFFFFE003, lr  }
0x1b: {  	s9 =	sadd.s32 $0xFFFFFEF7, lr;
	s5 =	simm.s32 $0xFFFFFFFF;
	p2 =	slt.u32 s8, $0xFFFFF086  }
0x1c: {  	p1 =	slt.u32 s9, $0xF7A;
	s5 =	simm.s32 @!p2 $0x0  }
0x1d: {  	s5 =	simm.s32 @p1 $0x1;
	p0 =	seq.s32 s7, s2  }
0x1e: {  	s7 =	smul.u32 @!p0 $0xF7A, s2;
	p2 =	seq.s32 @!p0 s5, $0x0  }
0x1f: {  	s9 =	smul.u32 $0xF7A, s1;
	s8 =	simm.s32 @!p0 $0x1BF5;
	p2 =	por !p2, p0  }
0x20: {  	[sflag:s8] =	ssyncset.s32 @!p0 $0xFFFFF086;
	s6 =	sadd.s32 @!p0 s3, s7;
	s7 =	simm.s32 @!p0 $0x108  }
0x21: {  	s3 =	sadd.s32 s3, s9;
	s6 =	sadd.s32 @!p0 $0x88, s6;
	s7 =	simm.s32 @p2 $0x1082  }
0x22: {  	[simem:s7], [sflag:s8] =	dma.local @!p0 [hbm:s6], $0xF7A  }
0x23: {  	s9 =	sor.u32 $0xD0000000, s2;
	s6 =	simm.s32 $0x108;
	_ =	swait.ge @!p0 [sflag:s8], $0x0  }
0x24: {  	s3 =	sadd.s32 $0x88, s3;
	s6 =	simm.s32 @!p1 $0x1082;
	[sflag:s4] =	ssyncset.s32 $0xFFFFF086  }
0x25: {  	[simem:s6], [sflag:s4] =	dma.local [hbm:s3], $0xF7A  }
0x26: {  	[smem:$0x3F9B] =	sst s1;
	(tag) =	ssettag s2;
	_ =	strace s9  }
0x27: {  	s1 =	sld [smem:$0x3FAB]  }
0x28: {  	s2 =	sld [smem:$0x3FAC]  }
0x29: {  	s4 =	sld [smem:$0x3FAE]  }
0x2a: {  	p0 =	seq.s32 s5, $0x0;
	s5 =	sld [smem:$0x3FAF]  }
0x2b: {  	s6 =	sld [smem:$0x3FB0]  }
0x2c: {  	s7 =	sld [smem:$0x3FB1]  }
0x2d: {  	s3 =	simm.s32 $0x108;
	s8 =	sld [smem:$0x3FB2]  }
0x2e: {  	s3 =	simm.s32 @!p0 $0x1082;
	s9 =	sld [smem:$0x3FB3]  }
0x2f: {  	lr =	sadd.s32 s0, s3;
	s0 =	sld [smem:$0x3FAA]  }
0x30: {  	s3 =	sld [smem:$0x3FAD]  }
0x31: {  	[smem:$0x3FB6] =	sst s10  }
0x32: {  	s10 =	sld [smem:$0x3FB4];
	_ =	sdelay $0x3  }
0x33: {  	p0 =	seq.s32 s10, $0x1;
	s10 =	sld [smem:$0x3FB6];
	_ =	sdelay $0x3  }
0x34: {  	[smem:$0x3FB6] =	sst s10  }
0x35: {  	s10 =	sld [smem:$0x3FB5];
	_ =	sdelay $0x3  }
0x36: {  	p1 =	seq.s32 s10, $0x1;
	s10 =	sld [smem:$0x3FB6];
	_ =	sdelay $0x3  }
0x37: {  	[smem:$0x3FB6] =	sst s10  }
0x38: {  	s10 =	sld [smem:$0x3FB7]  }
0x39: {  	_ = 	snop;
	(pc) =	sbr.ind lr, $3  }
0x3a: {  	_ = 	snop  }
0x3b: {  	_ = 	snop  }
0x3c: {  	p2 =	seq.s32 s10, $0x1;
	s10 =	sld [smem:$0x3FB6]  }
0x3d: {  	_ =	shalt  }
0x3e: {  	_ =	shalt  }
0x3f: {  	_ =	shalt  }
0x40: {  	_ =	shalt  }
0x41: {  	_ =	shalt  }
0x42: {  	_ =	shalt  }
0x43: {  	_ =	shalt  }
0x44: {  	_ =	shalt  }
0x45: {  	_ =	shalt  }
0x46: {  	_ =	shalt  }
0x47: {  	_ =	shalt  }
0x48: {  	_ =	shalt  }
0x49: {  	_ =	shalt  }
0x4a: {  	_ =	shalt  }
0x4b: {  	_ =	shalt  }
0x4c: {  	_ =	shalt  }
0x4d: {  	_ =	shalt  }
0x4e: {  	_ =	shalt  }
0x4f: {  	_ =	shalt  }
0x50: {  	_ =	shalt  }
0x51: {  	_ =	shalt  }
0x52: {  	_ =	shalt  }
0x53: {  	_ =	shalt  }
0x54: {  	_ =	shalt  }
0x55: {  	_ =	shalt  }
0x56: {  	_ =	shalt  }
0x57: {  	_ =	shalt  }
0x58: {  	_ =	shalt  }
0x59: {  	_ =	shalt  }
0x5a: {  	_ =	shalt  }
0x5b: {  	_ =	shalt  }
0x5c: {  	_ =	shalt  }
0x5d: {  	_ =	shalt  }
0x5e: {  	_ =	shalt  }
0x5f: {  	_ =	shalt  }
0x60: {  	_ =	shalt  }
0x61: {  	_ =	shalt  }
0x62: {  	_ =	shalt  }
0x63: {  	_ =	shalt  }
0x64: {  	_ =	shalt  }
0x65: {  	_ =	shalt  }
0x66: {  	_ =	shalt  }
0x67: {  	_ =	shalt  }
0x68: {  	_ =	shalt  }
0x69: {  	_ =	shalt  }
0x6a: {  	_ =	shalt  }
0x6b: {  	_ =	shalt  }
0x6c: {  	_ =	shalt  }
0x6d: {  	_ =	shalt  }
0x6e: {  	_ =	shalt  }
0x6f: {  	_ =	shalt  }
0x70: {  	_ =	shalt  }
0x71: {  	_ =	shalt  }
0x72: {  	_ =	shalt  }
0x73: {  	_ =	shalt  }
0x74: {  	_ =	shalt  }
0x75: {  	_ =	shalt  }
0x76: {  	_ =	shalt  }
0x77: {  	_ =	shalt  }
0x78: {  	_ =	shalt  }
0x79: {  	_ =	shalt  }
0x7a: {  	_ =	shalt  }
0x7b: {  	_ =	shalt  }
0x7c: {  	_ =	shalt  }
0x7d: {  	_ =	shalt  }
0x7e: {  	_ =	shalt  }
0x7f: {  	_ =	shalt  }
0x80: {  	_ =	shalt  }
0x81: {  	_ =	shalt  }
0x82: {  	_ =	shalt  }
0x83: {  	_ =	shalt  }
0x84: {  	_ =	shalt  }
0x85: {  	_ =	shalt  }
0x86: {  	_ =	shalt  }
0x87: {  	_ =	shalt  }
.Lfunc_end0:
.L_simem_size_0:
called_computation_lowered:
.L_overlay_start_0:
0x88: {  	s0 =	sld [smem:$0x3FD9]  }
0x89: {  	s1 =	sld [smem:$0x3FFE];
	_ =	sdelay $0x3  }
0x8a: {  	s0 =	sadd.s32 s1, s0  }
0x8b: {  	[smem:$0x3FC2] =	sst s0  }
0x8c: {  	_ = 	snop  }
0x8d: {  	s0 =	sld [smem:$0x3FC6]  }
0x8e: {  	s16 =	sld [smem:$0x3FD0];
	(tm) =	ssettm $0x1  }
0x8f: {  	s2 =	sld [smem:$0x3FFB];
	_ =	sdelay $0x3  }
0x90: {  	_ =	strace s2  }
0x91: {  	s2 =	sld [smem:$0x3FFC];
	_ =	sdelay $0x3  }
0x92: {  	_ =	strace s2  }
0x93: {  	s2 =	sld [smem:$0x3FFD];
	_ =	sdelay $0x3  }
0x94: {  	_ =	strace s2  }
0x95: {  	_ =	strace $0x8FFFFFFF  }
0x96: {  	s17 =	sld [smem:$0x3FDB];
	_ =	sdelay $0x1  }
0x97: {  	s3 =	simm.s32 $_scs_section_size  }
0x98: {  	s4 =	simm.s32 $_size__tile_overlayer_lowered;
	s5 =	simm.s32 $_tile_overlayer_lowered  }
0x99: {  	s20 =	simm.s32 $0x1BFF;
	s19 =	sshll.u32 s5, $0x1;
	s2 =	sadd.s32 s3, s17  }
0x9a: {  	s6 =	simm.s32 $0x0;
	s18 =	sshll.u32 s4, $0x1;
	s4 =	sadd.s32 s19, s2  }
0x9b: {  	[timem:s6], [sflag:s20] =	dma.local [hbm:s4], s18  }
0x9c: {  	_ =	swait.ge [sflag:s20], s18  }
0x9d: {  	s3 =	ssub.s32 $0x0, s18;
	[sflag:s20] =	ssyncset.done $0x0  }
0x9e: {  	[sflag:s20] =	ssyncadd.s32 s3;
	_ =	sdelay $0x1  }
0x9f: {  	s21 =	simm.s32 $0x1B8B  }
0xa0: {  	_ =	swait.ge [sflag:s21], $0x1  }
0xa1: {  	[sflag:s21] =	ssyncset.done $0x0  }
0xa2: {  	s23 =	simm.s32 $0x1B8E;
	s22 =	sld [smem:$0x3FFE];
	[sflag:s21] =	ssyncadd.s32 $0xFFFFFFFF  }
0xa3: {  	s24 =	simm.s32 $execute0_lowered;
	[smem:$0x3FD2] =	sst s23  }
0xa4: {  	s4 =	sshll.u32 s24, $0x1;
	_ =	strace $0x80000046;
	[dreg:$0x1] =	wrdreg $0xFFFFFFFF  }
0xa5: {  	s25 =	simm.s32 $_size_execute0_lowered;
	s2 =	sadd.s32 s2, s4;
	[dreg:$0x0] =	wrdreg $0x0  }
0xa6: {  	s4 =	sshll.u32 s25, $0x1;
	[dreg:$0x2] =	wrdreg s2  }
0xa7: {  	[dreg:$0x3] =	wrdreg s4  }
0xa8: {  	[dreg:$0x4] =	wrdreg $0xC0  }
0xa9: {  	_ =	task [dreg:s6], $0x5FFFF  }
0xaa: {  	[dreg:$0x1] =	wrdreg $0xFFFFFFFF  }
0xab: {  	[dreg:$0x0] =	wrdreg $0x60  }
0xac: {  	[dreg:$0x2] =	wrdreg s16  }
0xad: {  	[dreg:$0x3] =	wrdreg s22  }
0xae: {  	[dreg:$0x4] =	wrdreg s0  }
0xaf: {  	[dreg:$0x5] =	wrdreg $0x170100  }
0xb0: {  	[dreg:$0x6] =	wrdreg $0x198100  }
0xb1: {  	[dreg:$0x7] =	wrdreg $0x9  }
0xb2: {  	_ =	task.clear_ibuf [dreg:s6], $0x8FFFF;
	_ =	strace $0x90000046  }
0xb3: {  	s26 =	simm.s32 $0x9;
	_ =	strace $0x80000048  }
0xb4: {  	_ =	swait.ge [sflag:s26], $0x1  }
0xb5: {  	[sflag:s26] =	ssyncadd.s32 $0xFFFFFFFF  }
0xb6: {  	_ =	strace $0x90000048  }
0xb7: {  	_ =	sfence  }
0xb8: {  	s28 =	sld [smem:$0x0];
	_ =	sdelay $0x1  }
0xb9: {  	s29 =	srdreg.scid  }
0xba: {  	s30 =	sshll.u32 s29, $0xD;
	s31 =	sshrl.u32 s29, $0x2  }
0xbb: {  	s1 =	sand.u32 $0x1, s29;
	s2 =	sand.u32 $0x4000, s30;
	s0 =	sadd.s32 s31, s28  }
0xbc: {  	s1 =	sor.u32 s2, s1;
	s0 =	sshll.u32 s0, $0x11  }
0xbd: {  	s0 =	sor.u32 s0, s1  }
0xbe: {  	s0 =	sadd.s32 $0x8F2B, s0  }
0xbf: {  	[sflag:s0] =	ssyncadd.remote.s32 $0x1  }
0xc0: {  	_ =	sfence.sel $0xFFFF  }
0xc1: {  	[dreg:$0x0] =	wrdreg $0xFFFFFFFF;
	(pc) =	sbr.abs _section_cstart, $3  }
0xc2: {  	[dreg:$0x1] =	wrdreg $0xFFFFFFFF  }
0xc3: {  	_ =	task.clear_ibuf [dreg:s6], $0x2FFFF;
	_ =	strace $0x9FFFFFFF  }
0xc4: {  	(tm) =	ssettm $0x7FFFFFFF  }
0xc5: {  	_ =	shalt  }
tec
execute0_lowered:
.L_overlay_start_1:
0x0: {  	(tag) =	ssettag $0x1  }
0x1: {  	s13 =	rddreg [dreg:$0x0]  }
0x2: {  	s12 =	rddreg [dreg:$0x1]  }
0x3: {  	s6 =	rddreg [dreg:$0x2]  }
0x4: {  	s2 =	rddreg [dreg:$0x3]  }
0x5: {  	s5 =	rddreg [dreg:$0x4];
	s1 =	stileid.u32  }
0x6: {  	s0 =	rddreg [dreg:$0x5];
	s7 =	simm.s32 $0x0;
	s11 =	smul.u32 $0x2800, s1  }
0x7: {  	s14 =	simm.s32 $0x3;
	[smem:$0x7FF] =	sst s7;
	s3 =	sshll.u32 s1, $0x6  }
0x8: {  	s8 =	sadd.s32 $0xAA00, s12;
	s9 =	smul.u32 $0xA00, s1;
	s10 =	sadd.s32 s11, s2  }
0x9: {  	_ =	strace $0x80000047;
	s3 =	sor.u32 $0x1C03, s3;
	s4 =	sshrl.u32 s10, $0x3  }
0xa: {  	[spmem:s4], [sflag:s3] =	dma.local [hbm:s8], $0x500  }
0xb: {  	_ =	swait.ge [sflag:s14], $0x500  }
0xc: {  	s9 =	sadd.s32 s9, s12;
	[sflag:s14] =	ssyncset.done $0x0  }
0xd: {  	s15 =	simm.s32 $0x5000;
	s9 =	sadd.s32 $0xA00, s9;
	[sflag:s14] =	ssyncadd.s32 $0xFFFFFB00  }
0xe: {  	[tilespmem:s15], [sflag:$0x3] =	stream.linear.gather [hbm4b:s9+s7], $0x5000, $0x38;
	[tilespmem:$0x1C010] =	vst v63  }
0xf: {  	_ =	swait.ge [sflag:s14], $0x5000  }
0x10: {  	[sflag:s14] =	ssyncset.done $0x0  }
0x11: {  	s30 =	simm.s32 $0xA000;
	s29 =	sadd.s32 $0xB000, s12;
	[sflag:s14] =	ssyncadd.s32 $0xFFFFB000  }
0x12: {  	[tilespmem:s30], [sflag:$0x3] =	stream.linear.gather [hbm4b:s29+s7], $0x4000, $0x38;
	[tilespmem:$0x1C010] =	vst v63  }
0x13: {  	_ =	swait.ge [sflag:s14], $0x4000  }
0x14: {  	[sflag:s14] =	ssyncset.done $0x0  }
0x15: {  	s31 =	simm.s32 $0x17000;
	[sflag:s14] =	ssyncadd.s32 $0xFFFFC000  }
0x16: {  	[tilespmem:s31], [sflag:$0x3] =	stream.linear.gather [hbm4b:s6+s7], $0x10, $0x38;
	[tilespmem:$0x1C010] =	vst v63  }
0x17: {  	_ =	swait.ge [sflag:s14], $0x10  }
0x18: {  	[sflag:s14] =	ssyncset.done $0x0  }
0x19: {  	s7 =	simm.s32 $0x0;
	[sflag:s14] =	ssyncadd.s32 $0xFFFFFFF0  }
0x1a: {  	v0 =	vld [tilespmem:s7+$0x5000];
	_ =	sdelay $0x4  }
0x1b: {  	s9 =	sadd.s32 $0xB800, s12;
	s15 =	simm.s32 $0x10;
	v1 =	vshrl.u32 v0, $0x10  }
0x1c: {  	s6 =	sadd.s32 $0x10800, s12;
	s12 =	sadd.s32 $0x15800, s12;
	s14 =	simm.s32 $0x80;
	v0 =	vand.u32 $0xFFFF, v0;
	[tilespmem:s7+$0x5000] =	vst v1  }
.LBB2_1:
0x1d: {  	p0 =	sne.s32 s14, $0x13FC0;
	v1 =	vld [tilespmem:s15+$0x5000];
	[tilespmem:s7+$0x0] =	vst v0;
	s7 =	smov.u32 s15;
	_ =	sdelay $0x1  }
.Ltmp0:
0x1e: {  	(pc) =	sbr.rel @p0 .LBB2_1-.Ltmp0, $3  }
0x1f: {  	_ =	sdelay $0x1  }
0x20: {  	v0 =	vand.u32 $0xFFFF, v1;
	v1 =	vshrl.u32 v1, $0x10  }
0x21: {  	s15 =	sshra.s32 s14, $0x2;
	s14 =	sadd.s32 $0x40, s14;
	[tilespmem:s7+$0x5000] =	vst v1  }
0x22: {  	v1 =	vld [tilespmem:s15+$0x5000];
	_ =	sdelay $0x4  }
0x23: {  	[tilespmem:s7+$0x0] =	vst v0;
	v0 =	vshrl.u32 v1, $0x10  }
0x24: {  	v1 =	vand.u32 $0xFFFF, v1;
	[tilespmem:s15+$0x5000] =	vst v0  }
0x25: {  	s7 =	simm.s32 $0x400;
	[tilespmem:s15+$0x0] =	vst v1  }
0x26: {  	s14 =	simm.s32 $0x5000;
	s15 =	simm.s32 $0xA000;
	[bflag:$0x0] =	sbarrier.arrive $0xFFFF  }
0x27: {  	[spmem:s2] =	stream.indirect.scatter.add.f32 [tilespmem:s15], [sflag:$0x3], $0x10, s14, s7, $0xb8;
	[tilespmem:$0x1C010] =	vst v63  }
0x28: {  	s14 =	simm.s32 $0x3  }
0x29: {  	_ =	swait.ge [sflag:s14], $0x4000  }
0x2a: {  	[sflag:s14] =	ssyncset.done $0x0  }
0x2b: {  	s16 =	simm.s32 $0x5400;
	[sflag:s14] =	ssyncadd.s32 $0xFFFFC000  }
0x2c: {  	[spmem:s2] =	stream.indirect.scatter.add.f32 [tilespmem:s15], [sflag:$0x3], $0x10, s16, s7, $0xb8;
	[tilespmem:$0x1C010] =	vst v63  }
0x2d: {  	_ =	swait.ge [sflag:s14], $0x4000  }
0x2e: {  	[sflag:s14] =	ssyncset.done $0x0  }
0x2f: {  	s25 =	simm.s32 $0x5800;
	[sflag:s14] =	ssyncadd.s32 $0xFFFFC000  }
0x30: {  	[spmem:s2] =	stream.indirect.scatter.add.f32 [tilespmem:s15], [sflag:$0x3], $0x10, s25, s7, $0xb8;
	[tilespmem:$0x1C010] =	vst v63  }
0x31: {  	_ =	swait.ge [sflag:s14], $0x4000  }
0x32: {  	[sflag:s14] =	ssyncset.done $0x0  }
0x33: {  	s26 =	simm.s32 $0x5C00;
	[sflag:s14] =	ssyncadd.s32 $0xFFFFC000  }
0x34: {  	[spmem:s2] =	stream.indirect.scatter.add.f32 [tilespmem:s15], [sflag:$0x3], $0x10, s26, s7, $0xb8;
	[tilespmem:$0x1C010] =	vst v63  }
0x35: {  	_ =	swait.ge [sflag:s14], $0x4000  }
0x36: {  	[sflag:s14] =	ssyncset.done $0x0  }
0x37: {  	s28 =	simm.s32 $0x6000;
	[sflag:s14] =	ssyncadd.s32 $0xFFFFC000  }
0x38: {  	[spmem:s2] =	stream.indirect.scatter.add.f32 [tilespmem:s15], [sflag:$0x3], $0x10, s28, s7, $0xb8;
	[tilespmem:$0x1C010] =	vst v63  }
0x39: {  	_ =	swait.ge [sflag:s14], $0x4000  }
0x3a: {  	[sflag:s14] =	ssyncset.done $0x0  }
0x3b: {  	s29 =	simm.s32 $0x6400;
	[sflag:s14] =	ssyncadd.s32 $0xFFFFC000  }
0x3c: {  	[spmem:s2] =	stream.indirect.scatter.add.f32 [tilespmem:s15], [sflag:$0x3], $0x10, s29, s7, $0xb8;
	[tilespmem:$0x1C010] =	vst v63  }
0x3d: {  	_ =	swait.ge [sflag:s14], $0x4000  }
0x3e: {  	[sflag:s14] =	ssyncset.done $0x0  }
0x3f: {  	s30 =	simm.s32 $0x6800;
	[sflag:s14] =	ssyncadd.s32 $0xFFFFC000  }
0x40: {  	[spmem:s2] =	stream.indirect.scatter.add.f32 [tilespmem:s15], [sflag:$0x3], $0x10, s30, s7, $0xb8;
	[tilespmem:$0x1C010] =	vst v63  }
0x41: {  	_ =	swait.ge [sflag:s14], $0x4000  }
0x42: {  	[sflag:s14] =	ssyncset.done $0x0  }
0x43: {  	s31 =	simm.s32 $0x6C00;
	[sflag:s14] =	ssyncadd.s32 $0xFFFFC000  }
0x44: {  	[spmem:s2] =	stream.indirect.scatter.add.f32 [tilespmem:s15], [sflag:$0x3], $0x10, s31, s7, $0xb8;
	[tilespmem:$0x1C010] =	vst v63  }
0x45: {  	_ =	swait.ge [sflag:s14], $0x4000  }
0x46: {  	[sflag:s14] =	ssyncset.done $0x0  }
0x47: {  	s17 =	simm.s32 $0x7000;
	[sflag:s14] =	ssyncadd.s32 $0xFFFFC000  }
0x48: {  	[spmem:s2] =	stream.indirect.scatter.add.f32 [tilespmem:s15], [sflag:$0x3], $0x10, s17, s7, $0xb8;
	[tilespmem:$0x1C010] =	vst v63  }
0x49: {  	_ =	swait.ge [sflag:s14], $0x4000  }
0x4a: {  	[sflag:s14] =	ssyncset.done $0x0  }
0x4b: {  	s18 =	simm.s32 $0x7400;
	[sflag:s14] =	ssyncadd.s32 $0xFFFFC000  }
0x4c: {  	[spmem:s2] =	stream.indirect.scatter.add.f32 [tilespmem:s15], [sflag:$0x3], $0x10, s18, s7, $0xb8;
	[tilespmem:$0x1C010] =	vst v63  }
0x4d: {  	_ =	swait.ge [sflag:s14], $0x4000  }
0x4e: {  	[sflag:s14] =	ssyncset.done $0x0  }
0x4f: {  	s19 =	simm.s32 $0x7800;
	[sflag:s14] =	ssyncadd.s32 $0xFFFFC000  }
0x50: {  	[spmem:s2] =	stream.indirect.scatter.add.f32 [tilespmem:s15], [sflag:$0x3], $0x10, s19, s7, $0xb8;
	[tilespmem:$0x1C010] =	vst v63  }
0x51: {  	_ =	swait.ge [sflag:s14], $0x4000  }
0x52: {  	[sflag:s14] =	ssyncset.done $0x0  }
0x53: {  	s20 =	simm.s32 $0x7C00;
	[sflag:s14] =	ssyncadd.s32 $0xFFFFC000  }
0x54: {  	[spmem:s2] =	stream.indirect.scatter.add.f32 [tilespmem:s15], [sflag:$0x3], $0x10, s20, s7, $0xb8;
	[tilespmem:$0x1C010] =	vst v63  }
0x55: {  	_ =	swait.ge [sflag:s14], $0x4000  }
0x56: {  	[sflag:s14] =	ssyncset.done $0x0  }
0x57: {  	s21 =	simm.s32 $0x8000;
	[sflag:s14] =	ssyncadd.s32 $0xFFFFC000  }
0x58: {  	[spmem:s2] =	stream.indirect.scatter.add.f32 [tilespmem:s15], [sflag:$0x3], $0x10, s21, s7, $0xb8;
	[tilespmem:$0x1C010] =	vst v63  }
0x59: {  	_ =	swait.ge [sflag:s14], $0x4000  }
0x5a: {  	[sflag:s14] =	ssyncset.done $0x0  }
0x5b: {  	s22 =	simm.s32 $0x8400;
	[sflag:s14] =	ssyncadd.s32 $0xFFFFC000  }
0x5c: {  	[spmem:s2] =	stream.indirect.scatter.add.f32 [tilespmem:s15], [sflag:$0x3], $0x10, s22, s7, $0xb8;
	[tilespmem:$0x1C010] =	vst v63  }
0x5d: {  	_ =	swait.ge [sflag:s14], $0x4000  }
0x5e: {  	[sflag:s14] =	ssyncset.done $0x0  }
0x5f: {  	s23 =	simm.s32 $0x8800;
	[sflag:s14] =	ssyncadd.s32 $0xFFFFC000  }
0x60: {  	[spmem:s2] =	stream.indirect.scatter.add.f32 [tilespmem:s15], [sflag:$0x3], $0x10, s23, s7, $0xb8;
	[tilespmem:$0x1C010] =	vst v63  }
0x61: {  	_ =	swait.ge [sflag:s14], $0x4000  }
0x62: {  	[sflag:s14] =	ssyncset.done $0x0  }
0x63: {  	s24 =	simm.s32 $0x8C00;
	[sflag:s14] =	ssyncadd.s32 $0xFFFFC000  }
0x64: {  	[spmem:s2] =	stream.indirect.scatter.add.f32 [tilespmem:s15], [sflag:$0x3], $0x10, s24, s7, $0xb8;
	[tilespmem:$0x1C010] =	vst v63  }
0x65: {  	_ =	swait.ge [sflag:s14], $0x4000  }
0x66: {  	[sflag:s14] =	ssyncset.done $0x0  }
0x67: {  	s25 =	simm.s32 $0x9000;
	[sflag:s14] =	ssyncadd.s32 $0xFFFFC000  }
0x68: {  	[spmem:s2] =	stream.indirect.scatter.add.f32 [tilespmem:s15], [sflag:$0x3], $0x10, s25, s7, $0xb8;
	[tilespmem:$0x1C010] =	vst v63  }
0x69: {  	_ =	swait.ge [sflag:s14], $0x4000  }
0x6a: {  	[sflag:s14] =	ssyncset.done $0x0  }
0x6b: {  	s26 =	simm.s32 $0x9400;
	[sflag:s14] =	ssyncadd.s32 $0xFFFFC000  }
0x6c: {  	[spmem:s2] =	stream.indirect.scatter.add.f32 [tilespmem:s15], [sflag:$0x3], $0x10, s26, s7, $0xb8;
	[tilespmem:$0x1C010] =	vst v63  }
0x6d: {  	_ =	swait.ge [sflag:s14], $0x4000  }
0x6e: {  	[sflag:s14] =	ssyncset.done $0x0  }
0x6f: {  	s28 =	simm.s32 $0x9800;
	[sflag:s14] =	ssyncadd.s32 $0xFFFFC000  }
0x70: {  	[spmem:s2] =	stream.indirect.scatter.add.f32 [tilespmem:s15], [sflag:$0x3], $0x10, s28, s7, $0xb8;
	[tilespmem:$0x1C010] =	vst v63  }
0x71: {  	_ =	swait.ge [sflag:s14], $0x4000  }
0x72: {  	[sflag:s14] =	ssyncset.done $0x0  }
0x73: {  	s29 =	simm.s32 $0x9C00;
	[sflag:s14] =	ssyncadd.s32 $0xFFFFC000  }
0x74: {  	[spmem:s2] =	stream.indirect.scatter.add.f32 [tilespmem:s15], [sflag:$0x3], $0x10, s29, s7, $0xb8;
	[tilespmem:$0x1C010] =	vst v63  }
0x75: {  	_ =	swait.ge [sflag:s14], $0x4000  }
0x76: {  	[sflag:s14] =	ssyncset.done $0x0  }
0x77: {  	[sflag:s14] =	ssyncadd.s32 $0xFFFFC000  }
0x78: {  	s30 =	simm.s32 $0xE000;
	[bflag:$0x0] =	sbarrier.arrive $0xFFFF  }
0x79: {  	[tilespmem:s30], [sflag:$0x3] =	stream.linear.gather [spmem:s10], $0x2800, $0x38;
	[tilespmem:$0x1C010] =	vst v63  }
0x7a: {  	_ =	swait.ge [sflag:s14], $0x2800  }
0x7b: {  	s7 =	sshrl.u32 s11, $0x3;
	[sflag:s14] =	ssyncset.done $0x0  }
0x7c: {  	s31 =	simm.s32 $0x0;
	s13 =	sadd.s32 s13, s7;
	[sflag:s14] =	ssyncadd.s32 $0xFFFFD800  }
0x7d: {  	[tilespmem:s15], [sflag:$0x3] =	stream.linear.gather [hbm4b:s13+s31], $0x2800, $0x38;
	[tilespmem:$0x1C010] =	vst v63  }
0x7e: {  	_ =	swait.ge [sflag:s14], $0x2800  }
0x7f: {  	[sflag:s14] =	ssyncset.done $0x0  }
0x80: {  	s16 =	simm.s32 $0x0;
	[sflag:s14] =	ssyncadd.s32 $0xFFFFD800  }
0x81: {  	v0 =	vld [tilespmem:s16+$0xE000];
	_ =	sdelay $0x4  }
0x82: {  	s13 =	simm.s32 $0x10;
	v0 =	vadd.f32 $1.000000000e+00, v0  }
0x83: {  	v1 =	vld [tilespmem:s13+$0xE000]  }
0x84: {  	v2 =	vshra.s32 v0, $0x1;
	v0 =	vmul.f32 $5.000000000e-01, v0  }
0x85: {  	v2 =	vsub.s32 $0x5F3759DF, v2  }
0x86: {  	v3 =	vmul.f32 v2, v0;
	_ =	sdelay $0x1  }
0x87: {  	v1 =	vadd.f32 $1.000000000e+00, v1;
	v3 =	vmul.f32 v2, v3  }
0x88: {  	s15 =	simm.s32 $0x20  }
0x89: {  	v4 =	vld [tilespmem:s15+$0xE000];
	v5 =	vshra.s32 v1, $0x1;
	v6 =	vmul.f32 $5.000000000e-01, v1;
	v1 =	vsub.f32 $1.500000000e+00, v3  }
0x8a: {  	v5 =	vsub.s32 $0x5F3759DF, v5  }
0x8b: {  	v3 =	vmul.f32 v5, v6;
	v2 =	vmul.f32 v2, v1  }
0x8c: {  	s14 =	simm.s32 $0x30  }
0x8d: {  	v7 =	vld [tilespmem:s14+$0xE000];
	v1 =	vmul.f32 v5, v3;
	v0 =	vmul.f32 v2, v0  }
0x8e: {  	v3 =	vadd.f32 $1.000000000e+00, v4  }
0x8f: {  	v1 =	vsub.f32 $1.500000000e+00, v1;
	v4 =	vmul.f32 v0, v2  }
0x90: {  	v8 =	vshra.s32 v3, $0x1;
	v0 =	vmul.f32 $5.000000000e-01, v3  }
0x91: {  	v10 =	vld [tilespmem:s16+$0xA000];
	v3 =	vsub.s32 $0x5F3759DF, v8;
	v1 =	vmul.f32 v5, v1;
	v4 =	vsub.f32 $1.500000000e+00, v4  }
0x92: {  	s17 =	simm.s32 $0x40;
	v7 =	vadd.f32 $1.000000000e+00, v7;
	v8 =	vmul.f32 v3, v0  }
0x93: {  	v5 =	vld [tilespmem:s17+$0xE000];
	v9 =	vmul.f32 v1, v6;
	v4 =	vmul.f32 v4, v2  }
0x94: {  	v6 =	vshra.s32 v7, $0x1;
	v11 =	vmul.f32 v3, v8;
	v2 =	vmul.f32 $5.000000000e-01, v7  }
0x95: {  	v6 =	vsub.s32 $0x5F3759DF, v6;
	v8 =	vmul.f32 v9, v1;
	[tilespmem:s16+$0x14800] =	vst v4  }
0x96: {  	s18 =	simm.s32 $0x140;
	v9 =	vsub.f32 $1.500000000e+00, v11;
	v7 =	vmul.f32 v4, v10;
	v10 =	vmul.f32 v6, v2;
	v4 =	vld [tilespmem:s13+$0xA000]  }
.LBB2_3:
0x97: {  	s19 =	sshra.s32 s18, $0x2  }
0x98: {  	v11 =	vadd.f32 $1.000000000e+00, v5;
	v9 =	vmul.f32 v3, v9;
	v8 =	vsub.f32 $1.500000000e+00, v8;
	[tilespmem:s16+$0x12000] =	vst v7;
	v3 =	vmovc v6;
	s16 =	smov.u32 s13;
	s13 =	smov.u32 s15;
	p0 =	sne.s32 s18, $0x9FC0  }
.Ltmp1:
0x99: {  	s15 =	smov.u32 s14;
	s14 =	smov.u32 s17;
	v5 =	vld [tilespmem:s19+$0xE000];
	v7 =	vmul.f32 v3, v10;
	(pc) =	sbr.rel @p0 .LBB2_3-.Ltmp1, $4  }
0x9a: {  	s18 =	sadd.s32 $0x40, s18;
	s17 =	smov.u32 s19;
	v6 =	vshra.s32 v11, $0x1;
	v10 =	vmul.f32 v9, v0;
	v12 =	vmul.f32 v8, v1;
	v1 =	vmovc v9;
	v0 =	vmovc v2  }
0x9b: {  	v2 =	vmul.f32 $5.000000000e-01, v11;
	v6 =	vsub.s32 $0x5F3759DF, v6  }
0x9c: {  	v9 =	vsub.f32 $1.500000000e+00, v7;
	v8 =	vmul.f32 v10, v1;
	[tilespmem:s16+$0x14800] =	vst v12;
	v7 =	vmul.f32 v12, v4  }
0x9d: {  	v10 =	vmul.f32 v6, v2;
	v4 =	vld [tilespmem:s13+$0xA000]  }
0x9e: {  	_ = 	snop  }
0x9f: {  	v5 =	vadd.f32 $1.000000000e+00, v5;
	v10 =	vmul.f32 v6, v10  }
0xa0: {  	v3 =	vmul.f32 v3, v9;
	v8 =	vsub.f32 $1.500000000e+00, v8  }
0xa1: {  	v57 =	vshra.s32 v5, $0x1;
	v5 =	vmul.f32 $5.000000000e-01, v5;
	v10 =	vsub.f32 $1.500000000e+00, v10  }
0xa2: {  	v0 =	vmul.f32 v3, v0;
	v1 =	vmul.f32 v8, v1;
	v58 =	vsub.s32 $0x5F3759DF, v57  }
0xa3: {  	[tilespmem:s16+$0x12000] =	vst v7;
	v59 =	vmul.f32 v58, v5;
	v60 =	vmul.f32 v6, v10  }
0xa4: {  	v0 =	vmul.f32 v0, v3;
	[tilespmem:s13+$0x14800] =	vst v1  }
0xa5: {  	v61 =	vld [tilespmem:s15+$0xA000];
	v7 =	vmul.f32 v58, v59;
	v2 =	vmul.f32 v60, v2  }
0xa6: {  	v0 =	vsub.f32 $1.500000000e+00, v0  }
0xa7: {  	v1 =	vmul.f32 v1, v4;
	v62 =	vsub.f32 $1.500000000e+00, v7;
	v2 =	vmul.f32 v2, v60  }
0xa8: {  	v0 =	vmul.f32 v0, v3  }
0xa9: {  	[tilespmem:s13+$0x12000] =	vst v1;
	v1 =	vmul.f32 v58, v62;
	v2 =	vsub.f32 $1.500000000e+00, v2  }
0xaa: {  	[tilespmem:s15+$0x14800] =	vst v0;
	v0 =	vmul.f32 v0, v61  }
0xab: {  	v4 =	vmul.f32 v1, v5;
	v2 =	vmul.f32 v2, v60  }
0xac: {  	v3 =	vld [tilespmem:s14+$0xA000];
	[tilespmem:s15+$0x12000] =	vst v0  }
0xad: {  	v0 =	vmul.f32 v4, v1;
	[tilespmem:s14+$0x14800] =	vst v2  }
0xae: {  	v63 =	vld [tilespmem:s17+$0xA000]  }
0xaf: {  	v0 =	vsub.f32 $1.500000000e+00, v0;
	_ =	sdelay $0x1  }
0xb0: {  	v2 =	vmul.f32 v2, v3;
	v0 =	vmul.f32 v0, v1;
	_ =	sdelay $0x1  }
0xb1: {  	[tilespmem:s14+$0x12000] =	vst v2;
	v1 =	vmul.f32 v0, v63  }
0xb2: {  	[tilespmem:s17+$0x14800] =	vst v0  }
0xb3: {  	s11 =	sadd.s32 s11, s5;
	s13 =	simm.s32 $0x3;
	s15 =	simm.s32 $0x12000;
	[tilespmem:s17+$0x12000] =	vst v1  }
0xb4: {  	[spmem:s11] =	stream.linear.scatter [tilespmem:s15], [sflag:$0x3], $0x2800, $0x38;
	[tilespmem:$0x1C010] =	vst v63  }
0xb5: {  	_ =	swait.ge [sflag:s13], $0x2800  }
0xb6: {  	s12 =	sadd.s32 s12, s7;
	[sflag:s13] =	ssyncset.done $0x0  }
0xb7: {  	s16 =	simm.s32 $0x0;
	s17 =	simm.s32 $0x14800;
	[sflag:s13] =	ssyncadd.s32 $0xFFFFD800  }
0xb8: {  	[hbm4b:s12+s16] =	stream.linear.scatter [tilespmem:s17], [sflag:$0x3], $0x2800, $0x38;
	[tilespmem:$0x1C010] =	vst v63  }
0xb9: {  	_ =	swait.ge [sflag:s13], $0x2800  }
0xba: {  	[sflag:s13] =	ssyncset.done $0x0  }
0xbb: {  	[sflag:s13] =	ssyncadd.s32 $0xFFFFD800  }
0xbc: {  	[spmem:s4], [sflag:s3] =	dma.local [hbm:s8], $0x500  }
0xbd: {  	_ =	swait.ge [sflag:s13], $0x500  }
0xbe: {  	[sflag:s13] =	ssyncset.done $0x0  }
0xbf: {  	[sflag:s13] =	ssyncadd.s32 $0xFFFFFB00  }
0xc0: {  	s14 =	simm.s32 $0x400;
	s12 =	simm.s32 $0xA000;
	[bflag:$0x0] =	sbarrier.arrive $0xFFFF  }
0xc1: {  	[tilespmem:s12], [sflag:$0x1] =	stream.indirect.gather [spmem:s5], $0x10, s16, s14, $0xb8;
	[tilespmem:$0x1C010] =	vst v63  }
0xc2: {  	s15 =	simm.s32 $0xE000;
	s16 =	simm.s32 $0x1  }
0xc3: {  	[tilespmem:s15], [sflag:$0x2] =	stream.indirect.gather [spmem:s5], $0x10, s14, s14, $0xb8;
	[tilespmem:$0x1C010] =	vst v63  }
0xc4: {  	_ =	swait.ge [sflag:s16], $0x4000  }
0xc5: {  	[sflag:s16] =	ssyncset.done $0x0  }
0xc6: {  	s18 =	simm.s32 $0x5000;
	[sflag:s16] =	ssyncadd.s32 $0xFFFFC000  }
0xc7: {  	[spmem:s2] =	stream.indirect.scatter.add.f32 [tilespmem:s12], [sflag:$0x3], $0x10, s18, s14, $0xb8;
	[tilespmem:$0x1C010] =	vst v63  }
0xc8: {  	_ =	swait.ge [sflag:s13], $0x4000  }
0xc9: {  	[sflag:s13] =	ssyncset.done $0x0  }
0xca: {  	s19 =	simm.s32 $0x800;
	s17 =	simm.s32 $0x2;
	[sflag:s13] =	ssyncadd.s32 $0xFFFFC000  }
0xcb: {  	[tilespmem:s12], [sflag:$0x1] =	stream.indirect.gather [spmem:s5], $0x10, s19, s14, $0xb8;
	[tilespmem:$0x1C010] =	vst v63  }
0xcc: {  	_ =	swait.ge [sflag:s17], $0x4000  }
0xcd: {  	[sflag:s17] =	ssyncset.done $0x0  }
0xce: {  	s18 =	simm.s32 $0x5400;
	[sflag:s17] =	ssyncadd.s32 $0xFFFFC000  }
0xcf: {  	[spmem:s2] =	stream.indirect.scatter.add.f32 [tilespmem:s15], [sflag:$0x3], $0x10, s18, s14, $0xb8;
	[tilespmem:$0x1C010] =	vst v63  }
0xd0: {  	_ =	swait.ge [sflag:s13], $0x4000  }
0xd1: {  	[sflag:s13] =	ssyncset.done $0x0  }
0xd2: {  	s20 =	simm.s32 $0xC00;
	[sflag:s13] =	ssyncadd.s32 $0xFFFFC000  }
0xd3: {  	[tilespmem:s15], [sflag:$0x2] =	stream.indirect.gather [spmem:s5], $0x10, s20, s14, $0xb8;
	[tilespmem:$0x1C010] =	vst v63  }
0xd4: {  	_ =	swait.ge [sflag:s16], $0x4000  }
0xd5: {  	[sflag:s16] =	ssyncset.done $0x0  }
0xd6: {  	s21 =	simm.s32 $0x5800;
	[sflag:s16] =	ssyncadd.s32 $0xFFFFC000  }
0xd7: {  	[spmem:s2] =	stream.indirect.scatter.add.f32 [tilespmem:s12], [sflag:$0x3], $0x10, s21, s14, $0xb8;
	[tilespmem:$0x1C010] =	vst v63  }
0xd8: {  	_ =	swait.ge [sflag:s13], $0x4000  }
0xd9: {  	[sflag:s13] =	ssyncset.done $0x0  }
0xda: {  	s22 =	simm.s32 $0x1000;
	[sflag:s13] =	ssyncadd.s32 $0xFFFFC000  }
0xdb: {  	[tilespmem:s12], [sflag:$0x1] =	stream.indirect.gather [spmem:s5], $0x10, s22, s14, $0xb8;
	[tilespmem:$0x1C010] =	vst v63  }
0xdc: {  	_ =	swait.ge [sflag:s17], $0x4000  }
0xdd: {  	[sflag:s17] =	ssyncset.done $0x0  }
0xde: {  	s23 =	simm.s32 $0x5C00;
	[sflag:s17] =	ssyncadd.s32 $0xFFFFC000  }
0xdf: {  	[spmem:s2] =	stream.indirect.scatter.add.f32 [tilespmem:s15], [sflag:$0x3], $0x10, s23, s14, $0xb8;
	[tilespmem:$0x1C010] =	vst v63  }
0xe0: {  	_ =	swait.ge [sflag:s13], $0x4000  }
0xe1: {  	[sflag:s13] =	ssyncset.done $0x0  }
0xe2: {  	s24 =	simm.s32 $0x1400;
	[sflag:s13] =	ssyncadd.s32 $0xFFFFC000  }
0xe3: {  	[tilespmem:s15], [sflag:$0x2] =	stream.indirect.gather [spmem:s5], $0x10, s24, s14, $0xb8;
	[tilespmem:$0x1C010] =	vst v63  }
0xe4: {  	_ =	swait.ge [sflag:s16], $0x4000  }
0xe5: {  	[sflag:s16] =	ssyncset.done $0x0  }
0xe6: {  	s25 =	simm.s32 $0x6000;
	[sflag:s16] =	ssyncadd.s32 $0xFFFFC000  }
0xe7: {  	[spmem:s2] =	stream.indirect.scatter.add.f32 [tilespmem:s12], [sflag:$0x3], $0x10, s25, s14, $0xb8;
	[tilespmem:$0x1C010] =	vst v63  }
0xe8: {  	_ =	swait.ge [sflag:s13], $0x4000  }
0xe9: {  	[sflag:s13] =	ssyncset.done $0x0  }
0xea: {  	s26 =	simm.s32 $0x1800;
	[sflag:s13] =	ssyncadd.s32 $0xFFFFC000  }
0xeb: {  	[tilespmem:s12], [sflag:$0x1] =	stream.indirect.gather [spmem:s5], $0x10, s26, s14, $0xb8;
	[tilespmem:$0x1C010] =	vst v63  }
0xec: {  	_ =	swait.ge [sflag:s17], $0x4000  }
0xed: {  	[sflag:s17] =	ssyncset.done $0x0  }
0xee: {  	s28 =	simm.s32 $0x6400;
	[sflag:s17] =	ssyncadd.s32 $0xFFFFC000  }
0xef: {  	[spmem:s2] =	stream.indirect.scatter.add.f32 [tilespmem:s15], [sflag:$0x3], $0x10, s28, s14, $0xb8;
	[tilespmem:$0x1C010] =	vst v63  }
0xf0: {  	_ =	swait.ge [sflag:s13], $0x4000  }
0xf1: {  	[sflag:s13] =	ssyncset.done $0x0  }
0xf2: {  	s29 =	simm.s32 $0x1C00;
	[sflag:s13] =	ssyncadd.s32 $0xFFFFC000  }
0xf3: {  	[tilespmem:s15], [sflag:$0x2] =	stream.indirect.gather [spmem:s5], $0x10, s29, s14, $0xb8;
	[tilespmem:$0x1C010] =	vst v63  }
0xf4: {  	_ =	swait.ge [sflag:s16], $0x4000  }
0xf5: {  	[sflag:s16] =	ssyncset.done $0x0  }
0xf6: {  	s30 =	simm.s32 $0x6800;
	[sflag:s16] =	ssyncadd.s32 $0xFFFFC000  }
0xf7: {  	[spmem:s2] =	stream.indirect.scatter.add.f32 [tilespmem:s12], [sflag:$0x3], $0x10, s30, s14, $0xb8;
	[tilespmem:$0x1C010] =	vst v63  }
0xf8: {  	_ =	swait.ge [sflag:s13], $0x4000  }
0xf9: {  	[sflag:s13] =	ssyncset.done $0x0  }
0xfa: {  	s31 =	simm.s32 $0x2000;
	[sflag:s13] =	ssyncadd.s32 $0xFFFFC000  }
0xfb: {  	[tilespmem:s12], [sflag:$0x1] =	stream.indirect.gather [spmem:s5], $0x10, s31, s14, $0xb8;
	[tilespmem:$0x1C010] =	vst v63  }
0xfc: {  	_ =	swait.ge [sflag:s17], $0x4000  }
0xfd: {  	[sflag:s17] =	ssyncset.done $0x0  }
0xfe: {  	s19 =	simm.s32 $0x6C00;
	[sflag:s17] =	ssyncadd.s32 $0xFFFFC000  }
0xff: {  	[spmem:s2] =	stream.indirect.scatter.add.f32 [tilespmem:s15], [sflag:$0x3], $0x10, s19, s14, $0xb8;
	[tilespmem:$0x1C010] =	vst v63  }
0x100: {  	_ =	swait.ge [sflag:s13], $0x4000  }
0x101: {  	[sflag:s13] =	ssyncset.done $0x0  }
0x102: {  	s20 =	simm.s32 $0x2400;
	[sflag:s13] =	ssyncadd.s32 $0xFFFFC000  }
0x103: {  	[tilespmem:s15], [sflag:$0x2] =	stream.indirect.gather [spmem:s5], $0x10, s20, s14, $0xb8;
	[tilespmem:$0x1C010] =	vst v63  }
0x104: {  	_ =	swait.ge [sflag:s16], $0x4000  }
0x105: {  	[sflag:s16] =	ssyncset.done $0x0  }
0x106: {  	s21 =	simm.s32 $0x7000;
	[sflag:s16] =	ssyncadd.s32 $0xFFFFC000  }
0x107: {  	[spmem:s2] =	stream.indirect.scatter.add.f32 [tilespmem:s12], [sflag:$0x3], $0x10, s21, s14, $0xb8;
	[tilespmem:$0x1C010] =	vst v63  }
0x108: {  	_ =	swait.ge [sflag:s13], $0x4000  }
0x109: {  	[sflag:s13] =	ssyncset.done $0x0  }
0x10a: {  	s22 =	simm.s32 $0x2800;
	[sflag:s13] =	ssyncadd.s32 $0xFFFFC000  }
0x10b: {  	[tilespmem:s12], [sflag:$0x1] =	stream.indirect.gather [spmem:s5], $0x10, s22, s14, $0xb8;
	[tilespmem:$0x1C010] =	vst v63  }
0x10c: {  	_ =	swait.ge [sflag:s17], $0x4000  }
0x10d: {  	[sflag:s17] =	ssyncset.done $0x0  }
0x10e: {  	s23 =	simm.s32 $0x7400;
	[sflag:s17] =	ssyncadd.s32 $0xFFFFC000  }
0x10f: {  	[spmem:s2] =	stream.indirect.scatter.add.f32 [tilespmem:s15], [sflag:$0x3], $0x10, s23, s14, $0xb8;
	[tilespmem:$0x1C010] =	vst v63  }
0x110: {  	_ =	swait.ge [sflag:s13], $0x4000  }
0x111: {  	[sflag:s13] =	ssyncset.done $0x0  }
0x112: {  	s24 =	simm.s32 $0x2C00;
	[sflag:s13] =	ssyncadd.s32 $0xFFFFC000  }
0x113: {  	[tilespmem:s15], [sflag:$0x2] =	stream.indirect.gather [spmem:s5], $0x10, s24, s14, $0xb8;
	[tilespmem:$0x1C010] =	vst v63  }
0x114: {  	_ =	swait.ge [sflag:s16], $0x4000  }
0x115: {  	[sflag:s16] =	ssyncset.done $0x0  }
0x116: {  	s25 =	simm.s32 $0x7800;
	[sflag:s16] =	ssyncadd.s32 $0xFFFFC000  }
0x117: {  	[spmem:s2] =	stream.indirect.scatter.add.f32 [tilespmem:s12], [sflag:$0x3], $0x10, s25, s14, $0xb8;
	[tilespmem:$0x1C010] =	vst v63  }
0x118: {  	_ =	swait.ge [sflag:s13], $0x4000  }
0x119: {  	[sflag:s13] =	ssyncset.done $0x0  }
0x11a: {  	s26 =	simm.s32 $0x3000;
	[sflag:s13] =	ssyncadd.s32 $0xFFFFC000  }
0x11b: {  	[tilespmem:s12], [sflag:$0x1] =	stream.indirect.gather [spmem:s5], $0x10, s26, s14, $0xb8;
	[tilespmem:$0x1C010] =	vst v63  }
0x11c: {  	_ =	swait.ge [sflag:s17], $0x4000  }
0x11d: {  	[sflag:s17] =	ssyncset.done $0x0  }
0x11e: {  	s28 =	simm.s32 $0x7C00;
	[sflag:s17] =	ssyncadd.s32 $0xFFFFC000  }
0x11f: {  	[spmem:s2] =	stream.indirect.scatter.add.f32 [tilespmem:s15], [sflag:$0x3], $0x10, s28, s14, $0xb8;
	[tilespmem:$0x1C010] =	vst v63  }
0x120: {  	_ =	swait.ge [sflag:s13], $0x4000  }
0x121: {  	[sflag:s13] =	ssyncset.done $0x0  }
0x122: {  	s29 =	simm.s32 $0x3400;
	[sflag:s13] =	ssyncadd.s32 $0xFFFFC000  }
0x123: {  	[tilespmem:s15], [sflag:$0x2] =	stream.indirect.gather [spmem:s5], $0x10, s29, s14, $0xb8;
	[tilespmem:$0x1C010] =	vst v63  }
0x124: {  	_ =	swait.ge [sflag:s16], $0x4000  }
0x125: {  	[sflag:s16] =	ssyncset.done $0x0  }
0x126: {  	s30 =	simm.s32 $0x8000;
	[sflag:s16] =	ssyncadd.s32 $0xFFFFC000  }
0x127: {  	[spmem:s2] =	stream.indirect.scatter.add.f32 [tilespmem:s12], [sflag:$0x3], $0x10, s30, s14, $0xb8;
	[tilespmem:$0x1C010] =	vst v63  }
0x128: {  	_ =	swait.ge [sflag:s13], $0x4000  }
0x129: {  	[sflag:s13] =	ssyncset.done $0x0  }
0x12a: {  	s31 =	simm.s32 $0x3800;
	[sflag:s13] =	ssyncadd.s32 $0xFFFFC000  }
0x12b: {  	[tilespmem:s12], [sflag:$0x1] =	stream.indirect.gather [spmem:s5], $0x10, s31, s14, $0xb8;
	[tilespmem:$0x1C010] =	vst v63  }
0x12c: {  	_ =	swait.ge [sflag:s17], $0x4000  }
0x12d: {  	[sflag:s17] =	ssyncset.done $0x0  }
0x12e: {  	s19 =	simm.s32 $0x8400;
	[sflag:s17] =	ssyncadd.s32 $0xFFFFC000  }
0x12f: {  	[spmem:s2] =	stream.indirect.scatter.add.f32 [tilespmem:s15], [sflag:$0x3], $0x10, s19, s14, $0xb8;
	[tilespmem:$0x1C010] =	vst v63  }
0x130: {  	_ =	swait.ge [sflag:s13], $0x4000  }
0x131: {  	[sflag:s13] =	ssyncset.done $0x0  }
0x132: {  	s20 =	simm.s32 $0x3C00;
	[sflag:s13] =	ssyncadd.s32 $0xFFFFC000  }
0x133: {  	[tilespmem:s15], [sflag:$0x2] =	stream.indirect.gather [spmem:s5], $0x10, s20, s14, $0xb8;
	[tilespmem:$0x1C010] =	vst v63  }
0x134: {  	_ =	swait.ge [sflag:s16], $0x4000  }
0x135: {  	[sflag:s16] =	ssyncset.done $0x0  }
0x136: {  	s21 =	simm.s32 $0x8800;
	[sflag:s16] =	ssyncadd.s32 $0xFFFFC000  }
0x137: {  	[spmem:s2] =	stream.indirect.scatter.add.f32 [tilespmem:s12], [sflag:$0x3], $0x10, s21, s14, $0xb8;
	[tilespmem:$0x1C010] =	vst v63  }
0x138: {  	_ =	swait.ge [sflag:s13], $0x4000  }
0x139: {  	[sflag:s13] =	ssyncset.done $0x0  }
0x13a: {  	s22 =	simm.s32 $0x4000;
	[sflag:s13] =	ssyncadd.s32 $0xFFFFC000  }
0x13b: {  	[tilespmem:s12], [sflag:$0x1] =	stream.indirect.gather [spmem:s5], $0x10, s22, s14, $0xb8;
	[tilespmem:$0x1C010] =	vst v63  }
0x13c: {  	_ =	swait.ge [sflag:s17], $0x4000  }
0x13d: {  	[sflag:s17] =	ssyncset.done $0x0  }
0x13e: {  	s23 =	simm.s32 $0x8C00;
	[sflag:s17] =	ssyncadd.s32 $0xFFFFC000  }
0x13f: {  	[spmem:s2] =	stream.indirect.scatter.add.f32 [tilespmem:s15], [sflag:$0x3], $0x10, s23, s14, $0xb8;
	[tilespmem:$0x1C010] =	vst v63  }
0x140: {  	_ =	swait.ge [sflag:s13], $0x4000  }
0x141: {  	[sflag:s13] =	ssyncset.done $0x0  }
0x142: {  	s24 =	simm.s32 $0x4400;
	[sflag:s13] =	ssyncadd.s32 $0xFFFFC000  }
0x143: {  	[tilespmem:s15], [sflag:$0x2] =	stream.indirect.gather [spmem:s5], $0x10, s24, s14, $0xb8;
	[tilespmem:$0x1C010] =	vst v63  }
0x144: {  	_ =	swait.ge [sflag:s16], $0x4000  }
0x145: {  	[sflag:s16] =	ssyncset.done $0x0  }
0x146: {  	s25 =	simm.s32 $0x9000;
	[sflag:s16] =	ssyncadd.s32 $0xFFFFC000  }
0x147: {  	[spmem:s2] =	stream.indirect.scatter.add.f32 [tilespmem:s12], [sflag:$0x3], $0x10, s25, s14, $0xb8;
	[tilespmem:$0x1C010] =	vst v63  }
0x148: {  	_ =	swait.ge [sflag:s13], $0x4000  }
0x149: {  	[sflag:s13] =	ssyncset.done $0x0  }
0x14a: {  	s26 =	simm.s32 $0x4800;
	[sflag:s13] =	ssyncadd.s32 $0xFFFFC000  }
0x14b: {  	[tilespmem:s12], [sflag:$0x1] =	stream.indirect.gather [spmem:s5], $0x10, s26, s14, $0xb8;
	[tilespmem:$0x1C010] =	vst v63  }
0x14c: {  	_ =	swait.ge [sflag:s17], $0x4000  }
0x14d: {  	[sflag:s17] =	ssyncset.done $0x0  }
0x14e: {  	s28 =	simm.s32 $0x9400;
	[sflag:s17] =	ssyncadd.s32 $0xFFFFC000  }
0x14f: {  	[spmem:s2] =	stream.indirect.scatter.add.f32 [tilespmem:s15], [sflag:$0x3], $0x10, s28, s14, $0xb8;
	[tilespmem:$0x1C010] =	vst v63  }
0x150: {  	_ =	swait.ge [sflag:s13], $0x4000  }
0x151: {  	[sflag:s13] =	ssyncset.done $0x0  }
0x152: {  	s29 =	simm.s32 $0x4C00;
	[sflag:s13] =	ssyncadd.s32 $0xFFFFC000  }
0x153: {  	[tilespmem:s15], [sflag:$0x2] =	stream.indirect.gather [spmem:s5], $0x10, s29, s14, $0xb8;
	[tilespmem:$0x1C010] =	vst v63  }
0x154: {  	_ =	swait.ge [sflag:s16], $0x4000  }
0x155: {  	[sflag:s16] =	ssyncset.done $0x0  }
0x156: {  	s30 =	simm.s32 $0x9800;
	[sflag:s16] =	ssyncadd.s32 $0xFFFFC000  }
0x157: {  	[spmem:s2] =	stream.indirect.scatter.add.f32 [tilespmem:s12], [sflag:$0x3], $0x10, s30, s14, $0xb8;
	[tilespmem:$0x1C010] =	vst v63  }
0x158: {  	_ =	swait.ge [sflag:s13], $0x4000  }
0x159: {  	[sflag:s13] =	ssyncset.done $0x0  }
0x15a: {  	[sflag:s13] =	ssyncadd.s32 $0xFFFFC000  }
0x15b: {  	_ =	swait.ge [sflag:s17], $0x4000  }
0x15c: {  	[sflag:s17] =	ssyncset.done $0x0  }
0x15d: {  	s31 =	simm.s32 $0x9C00;
	[sflag:s17] =	ssyncadd.s32 $0xFFFFC000  }
0x15e: {  	[spmem:s2] =	stream.indirect.scatter.add.f32 [tilespmem:s15], [sflag:$0x3], $0x10, s31, s14, $0xb8;
	[tilespmem:$0x1C010] =	vst v63  }
0x15f: {  	_ =	swait.ge [sflag:s13], $0x4000  }
0x160: {  	[sflag:s13] =	ssyncset.done $0x0  }
0x161: {  	[sflag:s13] =	ssyncadd.s32 $0xFFFFC000  }
0x162: {  	[bflag:$0x0] =	sbarrier.arrive $0xFFFF  }
0x163: {  	[tilespmem:s12], [sflag:$0x3] =	stream.linear.gather [spmem:s10], $0x2800, $0x38;
	[tilespmem:$0x1C010] =	vst v63  }
0x164: {  	_ =	swait.ge [sflag:s13], $0x2800  }
0x165: {  	[sflag:s13] =	ssyncset.done $0x0  }
0x166: {  	[sflag:s13] =	ssyncadd.s32 $0xFFFFD800  }
0x167: {  	s10 =	simm.s32 $0x0;
	v0 =	vld [tilespmem:$0x17000]  }
0x168: {  	s12 =	simm.s32 $0x40;
	v1 =	vld [tilespmem:s10+$0xA000]  }
.LBB2_5:
0x169: {  	p0 =	sne.s32 s12, $0x9FC0;
	v2 =	vld [tilespmem:s10+$0x12000];
	_ =	sdelay $0x1  }
0x16a: {  	v3 =	vld [tilespmem:s10+$0x14800];
	_ =	sdelay $0x2  }
0x16b: {  	v1 =	vadd.f32 v2, v1;
	_ =	sdelay $0x1  }
0x16c: {  	v1 =	vmul.f32 v3, v1;
	_ =	sdelay $0x1  }
0x16d: {  	v1 =	vadd.f32 v1, v0  }
.Ltmp2:
0x16e: {  	(pc) =	sbr.rel @p0 .LBB2_5-.Ltmp2, $4  }
0x16f: {  	v1 =	vmax.f32 v1, $0.0e+00  }
0x170: {  	v2 =	vmul.f32 v1, v3  }
0x171: {  	s13 =	sshra.s32 s12, $0x2  }
0x172: {  	s12 =	sadd.s32 $0x40, s12;
	v1 =	vld [tilespmem:s13+$0xA000];
	[tilespmem:s10+$0x12000] =	vst v2;
	s10 =	smov.u32 s13  }
0x173: {  	v2 =	vld [tilespmem:s10+$0x12000];
	_ =	sdelay $0x1  }
0x174: {  	v3 =	vld [tilespmem:s10+$0x14800];
	_ =	sdelay $0x2  }
0x175: {  	v1 =	vadd.f32 v2, v1;
	_ =	sdelay $0x1  }
0x176: {  	v1 =	vmul.f32 v3, v1;
	_ =	sdelay $0x1  }
0x177: {  	v0 =	vadd.f32 v1, v0;
	_ =	sdelay $0x1  }
0x178: {  	v0 =	vmax.f32 v0, $0.0e+00  }
0x179: {  	v0 =	vmul.f32 v0, v3;
	_ =	sdelay $0x1  }
0x17a: {  	s12 =	simm.s32 $0x12000;
	[tilespmem:s10+$0x12000] =	vst v0;
	s10 =	simm.s32 $0x3  }
0x17b: {  	[spmem:s11] =	stream.linear.scatter [tilespmem:s12], [sflag:$0x3], $0x2800, $0x38;
	[tilespmem:$0x1C010] =	vst v63  }
0x17c: {  	_ =	swait.ge [sflag:s10], $0x2800  }
0x17d: {  	[sflag:s10] =	ssyncset.done $0x0  }
0x17e: {  	s9 =	sadd.s32 s9, s7;
	s13 =	simm.s32 $0x0;
	[sflag:s10] =	ssyncadd.s32 $0xFFFFD800  }
0x17f: {  	[hbm4b:s9+s13] =	stream.linear.scatter [tilespmem:s12], [sflag:$0x3], $0x2800, $0x38;
	[tilespmem:$0x1C010] =	vst v63  }
0x180: {  	_ =	swait.ge [sflag:s10], $0x2800  }
0x181: {  	[sflag:s10] =	ssyncset.done $0x0  }
0x182: {  	[sflag:s10] =	ssyncadd.s32 $0xFFFFD800  }
0x183: {  	[spmem:s4], [sflag:s3] =	dma.local [hbm:s8], $0x500  }
0x184: {  	_ =	swait.ge [sflag:s10], $0x500  }
0x185: {  	[sflag:s10] =	ssyncset.done $0x0  }
0x186: {  	[sflag:s10] =	ssyncadd.s32 $0xFFFFFB00  }
0x187: {  	s11 =	simm.s32 $0xA000;
	s8 =	simm.s32 $0x400;
	[bflag:$0x0] =	sbarrier.arrive $0xFFFF  }
0x188: {  	[tilespmem:s11], [sflag:$0x1] =	stream.indirect.gather [spmem:s5], $0x10, s13, s8, $0xb8;
	[tilespmem:$0x1C010] =	vst v63  }
0x189: {  	s9 =	simm.s32 $0xE000;
	s12 =	simm.s32 $0x1  }
0x18a: {  	[tilespmem:s9], [sflag:$0x2] =	stream.indirect.gather [spmem:s5], $0x10, s8, s8, $0xb8;
	[tilespmem:$0x1C010] =	vst v63  }
0x18b: {  	_ =	swait.ge [sflag:s12], $0x4000  }
0x18c: {  	[sflag:s12] =	ssyncset.done $0x0  }
0x18d: {  	s25 =	simm.s32 $0x5000;
	[sflag:s12] =	ssyncadd.s32 $0xFFFFC000  }
0x18e: {  	[spmem:s2] =	stream.indirect.scatter.add.f32 [tilespmem:s11], [sflag:$0x3], $0x10, s25, s8, $0xb8;
	[tilespmem:$0x1C010] =	vst v63  }
0x18f: {  	_ =	swait.ge [sflag:s10], $0x4000  }
0x190: {  	[sflag:s10] =	ssyncset.done $0x0  }
0x191: {  	s26 =	simm.s32 $0x800;
	s13 =	simm.s32 $0x2;
	[sflag:s10] =	ssyncadd.s32 $0xFFFFC000  }
0x192: {  	[tilespmem:s11], [sflag:$0x1] =	stream.indirect.gather [spmem:s5], $0x10, s26, s8, $0xb8;
	[tilespmem:$0x1C010] =	vst v63  }
0x193: {  	_ =	swait.ge [sflag:s13], $0x4000  }
0x194: {  	[sflag:s13] =	ssyncset.done $0x0  }
0x195: {  	s14 =	simm.s32 $0x5400;
	[sflag:s13] =	ssyncadd.s32 $0xFFFFC000  }
0x196: {  	[spmem:s2] =	stream.indirect.scatter.add.f32 [tilespmem:s9], [sflag:$0x3], $0x10, s14, s8, $0xb8;
	[tilespmem:$0x1C010] =	vst v63  }
0x197: {  	_ =	swait.ge [sflag:s10], $0x4000  }
0x198: {  	[sflag:s10] =	ssyncset.done $0x0  }
0x199: {  	s28 =	simm.s32 $0xC00;
	[sflag:s10] =	ssyncadd.s32 $0xFFFFC000  }
0x19a: {  	[tilespmem:s9], [sflag:$0x2] =	stream.indirect.gather [spmem:s5], $0x10, s28, s8, $0xb8;
	[tilespmem:$0x1C010] =	vst v63  }
0x19b: {  	_ =	swait.ge [sflag:s12], $0x4000  }
0x19c: {  	[sflag:s12] =	ssyncset.done $0x0  }
0x19d: {  	s29 =	simm.s32 $0x5800;
	[sflag:s12] =	ssyncadd.s32 $0xFFFFC000  }
0x19e: {  	[spmem:s2] =	stream.indirect.scatter.add.f32 [tilespmem:s11], [sflag:$0x3], $0x10, s29, s8, $0xb8;
	[tilespmem:$0x1C010] =	vst v63  }
0x19f: {  	_ =	swait.ge [sflag:s10], $0x4000  }
0x1a0: {  	[sflag:s10] =	ssyncset.done $0x0  }
0x1a1: {  	s30 =	simm.s32 $0x1000;
	[sflag:s10] =	ssyncadd.s32 $0xFFFFC000  }
0x1a2: {  	[tilespmem:s11], [sflag:$0x1] =	stream.indirect.gather [spmem:s5], $0x10, s30, s8, $0xb8;
	[tilespmem:$0x1C010] =	vst v63  }
0x1a3: {  	_ =	swait.ge [sflag:s13], $0x4000  }
0x1a4: {  	[sflag:s13] =	ssyncset.done $0x0  }
0x1a5: {  	s31 =	simm.s32 $0x5C00;
	[sflag:s13] =	ssyncadd.s32 $0xFFFFC000  }
0x1a6: {  	[spmem:s2] =	stream.indirect.scatter.add.f32 [tilespmem:s9], [sflag:$0x3], $0x10, s31, s8, $0xb8;
	[tilespmem:$0x1C010] =	vst v63  }
0x1a7: {  	_ =	swait.ge [sflag:s10], $0x4000  }
0x1a8: {  	[sflag:s10] =	ssyncset.done $0x0  }
0x1a9: {  	s15 =	simm.s32 $0x1400;
	[sflag:s10] =	ssyncadd.s32 $0xFFFFC000  }
0x1aa: {  	[tilespmem:s9], [sflag:$0x2] =	stream.indirect.gather [spmem:s5], $0x10, s15, s8, $0xb8;
	[tilespmem:$0x1C010] =	vst v63  }
0x1ab: {  	_ =	swait.ge [sflag:s12], $0x4000  }
0x1ac: {  	[sflag:s12] =	ssyncset.done $0x0  }
0x1ad: {  	s16 =	simm.s32 $0x6000;
	[sflag:s12] =	ssyncadd.s32 $0xFFFFC000  }
0x1ae: {  	[spmem:s2] =	stream.indirect.scatter.add.f32 [tilespmem:s11], [sflag:$0x3], $0x10, s16, s8, $0xb8;
	[tilespmem:$0x1C010] =	vst v63  }
0x1af: {  	_ =	swait.ge [sflag:s10], $0x4000  }
0x1b0: {  	[sflag:s10] =	ssyncset.done $0x0  }
0x1b1: {  	s17 =	simm.s32 $0x1800;
	[sflag:s10] =	ssyncadd.s32 $0xFFFFC000  }
0x1b2: {  	[tilespmem:s11], [sflag:$0x1] =	stream.indirect.gather [spmem:s5], $0x10, s17, s8, $0xb8;
	[tilespmem:$0x1C010] =	vst v63  }
0x1b3: {  	_ =	swait.ge [sflag:s13], $0x4000  }
0x1b4: {  	[sflag:s13] =	ssyncset.done $0x0  }
0x1b5: {  	s18 =	simm.s32 $0x6400;
	[sflag:s13] =	ssyncadd.s32 $0xFFFFC000  }
0x1b6: {  	[spmem:s2] =	stream.indirect.scatter.add.f32 [tilespmem:s9], [sflag:$0x3], $0x10, s18, s8, $0xb8;
	[tilespmem:$0x1C010] =	vst v63  }
0x1b7: {  	_ =	swait.ge [sflag:s10], $0x4000  }
0x1b8: {  	[sflag:s10] =	ssyncset.done $0x0  }
0x1b9: {  	s19 =	simm.s32 $0x1C00;
	[sflag:s10] =	ssyncadd.s32 $0xFFFFC000  }
0x1ba: {  	[tilespmem:s9], [sflag:$0x2] =	stream.indirect.gather [spmem:s5], $0x10, s19, s8, $0xb8;
	[tilespmem:$0x1C010] =	vst v63  }
0x1bb: {  	_ =	swait.ge [sflag:s12], $0x4000  }
0x1bc: {  	[sflag:s12] =	ssyncset.done $0x0  }
0x1bd: {  	s20 =	simm.s32 $0x6800;
	[sflag:s12] =	ssyncadd.s32 $0xFFFFC000  }
0x1be: {  	[spmem:s2] =	stream.indirect.scatter.add.f32 [tilespmem:s11], [sflag:$0x3], $0x10, s20, s8, $0xb8;
	[tilespmem:$0x1C010] =	vst v63  }
0x1bf: {  	_ =	swait.ge [sflag:s10], $0x4000  }
0x1c0: {  	[sflag:s10] =	ssyncset.done $0x0  }
0x1c1: {  	s21 =	simm.s32 $0x2000;
	[sflag:s10] =	ssyncadd.s32 $0xFFFFC000  }
0x1c2: {  	[tilespmem:s11], [sflag:$0x1] =	stream.indirect.gather [spmem:s5], $0x10, s21, s8, $0xb8;
	[tilespmem:$0x1C010] =	vst v63  }
0x1c3: {  	_ =	swait.ge [sflag:s13], $0x4000  }
0x1c4: {  	[sflag:s13] =	ssyncset.done $0x0  }
0x1c5: {  	s22 =	simm.s32 $0x6C00;
	[sflag:s13] =	ssyncadd.s32 $0xFFFFC000  }
0x1c6: {  	[spmem:s2] =	stream.indirect.scatter.add.f32 [tilespmem:s9], [sflag:$0x3], $0x10, s22, s8, $0xb8;
	[tilespmem:$0x1C010] =	vst v63  }
0x1c7: {  	_ =	swait.ge [sflag:s10], $0x4000  }
0x1c8: {  	[sflag:s10] =	ssyncset.done $0x0  }
0x1c9: {  	s23 =	simm.s32 $0x2400;
	[sflag:s10] =	ssyncadd.s32 $0xFFFFC000  }
0x1ca: {  	[tilespmem:s9], [sflag:$0x2] =	stream.indirect.gather [spmem:s5], $0x10, s23, s8, $0xb8;
	[tilespmem:$0x1C010] =	vst v63  }
0x1cb: {  	_ =	swait.ge [sflag:s12], $0x4000  }
0x1cc: {  	[sflag:s12] =	ssyncset.done $0x0  }
0x1cd: {  	s24 =	simm.s32 $0x7000;
	[sflag:s12] =	ssyncadd.s32 $0xFFFFC000  }
0x1ce: {  	[spmem:s2] =	stream.indirect.scatter.add.f32 [tilespmem:s11], [sflag:$0x3], $0x10, s24, s8, $0xb8;
	[tilespmem:$0x1C010] =	vst v63  }
0x1cf: {  	_ =	swait.ge [sflag:s10], $0x4000  }
0x1d0: {  	[sflag:s10] =	ssyncset.done $0x0  }
0x1d1: {  	s25 =	simm.s32 $0x2800;
	[sflag:s10] =	ssyncadd.s32 $0xFFFFC000  }
0x1d2: {  	[tilespmem:s11], [sflag:$0x1] =	stream.indirect.gather [spmem:s5], $0x10, s25, s8, $0xb8;
	[tilespmem:$0x1C010] =	vst v63  }
0x1d3: {  	_ =	swait.ge [sflag:s13], $0x4000  }
0x1d4: {  	[sflag:s13] =	ssyncset.done $0x0  }
0x1d5: {  	s26 =	simm.s32 $0x7400;
	[sflag:s13] =	ssyncadd.s32 $0xFFFFC000  }
0x1d6: {  	[spmem:s2] =	stream.indirect.scatter.add.f32 [tilespmem:s9], [sflag:$0x3], $0x10, s26, s8, $0xb8;
	[tilespmem:$0x1C010] =	vst v63  }
0x1d7: {  	_ =	swait.ge [sflag:s10], $0x4000  }
0x1d8: {  	[sflag:s10] =	ssyncset.done $0x0  }
0x1d9: {  	s28 =	simm.s32 $0x2C00;
	[sflag:s10] =	ssyncadd.s32 $0xFFFFC000  }
0x1da: {  	[tilespmem:s9], [sflag:$0x2] =	stream.indirect.gather [spmem:s5], $0x10, s28, s8, $0xb8;
	[tilespmem:$0x1C010] =	vst v63  }
0x1db: {  	_ =	swait.ge [sflag:s12], $0x4000  }
0x1dc: {  	[sflag:s12] =	ssyncset.done $0x0  }
0x1dd: {  	s29 =	simm.s32 $0x7800;
	[sflag:s12] =	ssyncadd.s32 $0xFFFFC000  }
0x1de: {  	[spmem:s2] =	stream.indirect.scatter.add.f32 [tilespmem:s11], [sflag:$0x3], $0x10, s29, s8, $0xb8;
	[tilespmem:$0x1C010] =	vst v63  }
0x1df: {  	_ =	swait.ge [sflag:s10], $0x4000  }
0x1e0: {  	[sflag:s10] =	ssyncset.done $0x0  }
0x1e1: {  	s30 =	simm.s32 $0x3000;
	[sflag:s10] =	ssyncadd.s32 $0xFFFFC000  }
0x1e2: {  	[tilespmem:s11], [sflag:$0x1] =	stream.indirect.gather [spmem:s5], $0x10, s30, s8, $0xb8;
	[tilespmem:$0x1C010] =	vst v63  }
0x1e3: {  	_ =	swait.ge [sflag:s13], $0x4000  }
0x1e4: {  	[sflag:s13] =	ssyncset.done $0x0  }
0x1e5: {  	s31 =	simm.s32 $0x7C00;
	[sflag:s13] =	ssyncadd.s32 $0xFFFFC000  }
0x1e6: {  	[spmem:s2] =	stream.indirect.scatter.add.f32 [tilespmem:s9], [sflag:$0x3], $0x10, s31, s8, $0xb8;
	[tilespmem:$0x1C010] =	vst v63  }
0x1e7: {  	_ =	swait.ge [sflag:s10], $0x4000  }
0x1e8: {  	[sflag:s10] =	ssyncset.done $0x0  }
0x1e9: {  	s15 =	simm.s32 $0x3400;
	[sflag:s10] =	ssyncadd.s32 $0xFFFFC000  }
0x1ea: {  	[tilespmem:s9], [sflag:$0x2] =	stream.indirect.gather [spmem:s5], $0x10, s15, s8, $0xb8;
	[tilespmem:$0x1C010] =	vst v63  }
0x1eb: {  	_ =	swait.ge [sflag:s12], $0x4000  }
0x1ec: {  	[sflag:s12] =	ssyncset.done $0x0  }
0x1ed: {  	s16 =	simm.s32 $0x8000;
	[sflag:s12] =	ssyncadd.s32 $0xFFFFC000  }
0x1ee: {  	[spmem:s2] =	stream.indirect.scatter.add.f32 [tilespmem:s11], [sflag:$0x3], $0x10, s16, s8, $0xb8;
	[tilespmem:$0x1C010] =	vst v63  }
0x1ef: {  	_ =	swait.ge [sflag:s10], $0x4000  }
0x1f0: {  	[sflag:s10] =	ssyncset.done $0x0  }
0x1f1: {  	s17 =	simm.s32 $0x3800;
	[sflag:s10] =	ssyncadd.s32 $0xFFFFC000  }
0x1f2: {  	[tilespmem:s11], [sflag:$0x1] =	stream.indirect.gather [spmem:s5], $0x10, s17, s8, $0xb8;
	[tilespmem:$0x1C010] =	vst v63  }
0x1f3: {  	_ =	swait.ge [sflag:s13], $0x4000  }
0x1f4: {  	[sflag:s13] =	ssyncset.done $0x0  }
0x1f5: {  	s18 =	simm.s32 $0x8400;
	[sflag:s13] =	ssyncadd.s32 $0xFFFFC000  }
0x1f6: {  	[spmem:s2] =	stream.indirect.scatter.add.f32 [tilespmem:s9], [sflag:$0x3], $0x10, s18, s8, $0xb8;
	[tilespmem:$0x1C010] =	vst v63  }
0x1f7: {  	_ =	swait.ge [sflag:s10], $0x4000  }
0x1f8: {  	[sflag:s10] =	ssyncset.done $0x0  }
0x1f9: {  	s19 =	simm.s32 $0x3C00;
	[sflag:s10] =	ssyncadd.s32 $0xFFFFC000  }
0x1fa: {  	[tilespmem:s9], [sflag:$0x2] =	stream.indirect.gather [spmem:s5], $0x10, s19, s8, $0xb8;
	[tilespmem:$0x1C010] =	vst v63  }
0x1fb: {  	_ =	swait.ge [sflag:s12], $0x4000  }
0x1fc: {  	[sflag:s12] =	ssyncset.done $0x0  }
0x1fd: {  	s20 =	simm.s32 $0x8800;
	[sflag:s12] =	ssyncadd.s32 $0xFFFFC000  }
0x1fe: {  	[spmem:s2] =	stream.indirect.scatter.add.f32 [tilespmem:s11], [sflag:$0x3], $0x10, s20, s8, $0xb8;
	[tilespmem:$0x1C010] =	vst v63  }
0x1ff: {  	_ =	swait.ge [sflag:s10], $0x4000  }
0x200: {  	[sflag:s10] =	ssyncset.done $0x0  }
0x201: {  	s21 =	simm.s32 $0x4000;
	[sflag:s10] =	ssyncadd.s32 $0xFFFFC000  }
0x202: {  	[tilespmem:s11], [sflag:$0x1] =	stream.indirect.gather [spmem:s5], $0x10, s21, s8, $0xb8;
	[tilespmem:$0x1C010] =	vst v63  }
0x203: {  	_ =	swait.ge [sflag:s13], $0x4000  }
0x204: {  	[sflag:s13] =	ssyncset.done $0x0  }
0x205: {  	s22 =	simm.s32 $0x8C00;
	[sflag:s13] =	ssyncadd.s32 $0xFFFFC000  }
0x206: {  	[spmem:s2] =	stream.indirect.scatter.add.f32 [tilespmem:s9], [sflag:$0x3], $0x10, s22, s8, $0xb8;
	[tilespmem:$0x1C010] =	vst v63  }
0x207: {  	_ =	swait.ge [sflag:s10], $0x4000  }
0x208: {  	[sflag:s10] =	ssyncset.done $0x0  }
0x209: {  	s23 =	simm.s32 $0x4400;
	[sflag:s10] =	ssyncadd.s32 $0xFFFFC000  }
0x20a: {  	[tilespmem:s9], [sflag:$0x2] =	stream.indirect.gather [spmem:s5], $0x10, s23, s8, $0xb8;
	[tilespmem:$0x1C010] =	vst v63  }
0x20b: {  	_ =	swait.ge [sflag:s12], $0x4000  }
0x20c: {  	[sflag:s12] =	ssyncset.done $0x0  }
0x20d: {  	s24 =	simm.s32 $0x9000;
	[sflag:s12] =	ssyncadd.s32 $0xFFFFC000  }
0x20e: {  	[spmem:s2] =	stream.indirect.scatter.add.f32 [tilespmem:s11], [sflag:$0x3], $0x10, s24, s8, $0xb8;
	[tilespmem:$0x1C010] =	vst v63  }
0x20f: {  	_ =	swait.ge [sflag:s10], $0x4000  }
0x210: {  	[sflag:s10] =	ssyncset.done $0x0  }
0x211: {  	s25 =	simm.s32 $0x4800;
	[sflag:s10] =	ssyncadd.s32 $0xFFFFC000  }
0x212: {  	[tilespmem:s11], [sflag:$0x1] =	stream.indirect.gather [spmem:s5], $0x10, s25, s8, $0xb8;
	[tilespmem:$0x1C010] =	vst v63  }
0x213: {  	_ =	swait.ge [sflag:s13], $0x4000  }
0x214: {  	[sflag:s13] =	ssyncset.done $0x0  }
0x215: {  	s26 =	simm.s32 $0x9400;
	[sflag:s13] =	ssyncadd.s32 $0xFFFFC000  }
0x216: {  	[spmem:s2] =	stream.indirect.scatter.add.f32 [tilespmem:s9], [sflag:$0x3], $0x10, s26, s8, $0xb8;
	[tilespmem:$0x1C010] =	vst v63  }
0x217: {  	_ =	swait.ge [sflag:s10], $0x4000  }
0x218: {  	[sflag:s10] =	ssyncset.done $0x0  }
0x219: {  	s28 =	simm.s32 $0x4C00;
	[sflag:s10] =	ssyncadd.s32 $0xFFFFC000  }
0x21a: {  	[tilespmem:s9], [sflag:$0x2] =	stream.indirect.gather [spmem:s5], $0x10, s28, s8, $0xb8;
	[tilespmem:$0x1C010] =	vst v63  }
0x21b: {  	_ =	swait.ge [sflag:s12], $0x4000  }
0x21c: {  	[sflag:s12] =	ssyncset.done $0x0  }
0x21d: {  	s29 =	simm.s32 $0x9800;
	[sflag:s12] =	ssyncadd.s32 $0xFFFFC000  }
0x21e: {  	[spmem:s2] =	stream.indirect.scatter.add.f32 [tilespmem:s11], [sflag:$0x3], $0x10, s29, s8, $0xb8;
	[tilespmem:$0x1C010] =	vst v63  }
0x21f: {  	_ =	swait.ge [sflag:s10], $0x4000  }
0x220: {  	[sflag:s10] =	ssyncset.done $0x0  }
0x221: {  	[sflag:s10] =	ssyncadd.s32 $0xFFFFC000  }
0x222: {  	_ =	swait.ge [sflag:s13], $0x4000  }
0x223: {  	[sflag:s13] =	ssyncset.done $0x0  }
0x224: {  	s30 =	simm.s32 $0x9C00;
	[sflag:s13] =	ssyncadd.s32 $0xFFFFC000  }
0x225: {  	[spmem:s2] =	stream.indirect.scatter.add.f32 [tilespmem:s9], [sflag:$0x3], $0x10, s30, s8, $0xb8;
	[tilespmem:$0x1C010] =	vst v63  }
0x226: {  	_ =	swait.ge [sflag:s10], $0x4000  }
0x227: {  	[sflag:s10] =	ssyncset.done $0x0  }
0x228: {  	[sflag:s10] =	ssyncadd.s32 $0xFFFFC000  }
0x229: {  	s31 =	sadd.s32 s6, s7;
	[bflag:$0x0] =	sbarrier.arrive $0xFFFF  }
0x22a: {  	[hbm:s31], [sflag:s3] =	dma.local [spmem:s4], $0x500  }
0x22b: {  	_ =	swait.ge [sflag:s10], $0x500  }
0x22c: {  	[sflag:s10] =	ssyncset.done $0x0  }
0x22d: {  	[sflag:s10] =	ssyncadd.s32 $0xFFFFFB00  }
0x22e: {  	_ =	sfence.sel $0x180000  }
0x22f: {  	[bflag:$0x0] =	sbarrier.arrive $0xFFFF  }
0x230: {  	p0 =	sne.s32 s1, $0x0;
	_ =	strace $0x90000047  }
0x231: {  	s0 =	sadd.s32 @!p0 $0x100000, s0;
	[bflag:$0x2] =	sbarrier.arrive $0xFFFF  }
0x232: {  	[sflag:s0] =	ssyncadd.tile.s32 @!p0 $0x1;
	_ =	shalt  }
.Lfunc_end2:
_tile_overlayer_lowered:
.L_overlay_start_2:
0x233: {  	(tag) =	ssettag $0x2  }
0x234: {  	s0 =	rddreg [dreg:$0x0];
	s2 =	stileid.u32  }
0x235: {  	s1 =	rddreg [dreg:$0x1];
	p0 =	sne.s32 s2, $0x0  }
0x236: {  	s3 =	rddreg [dreg:$0x2];
	[bflag:$0x3] =	sbarrier.arrive $0xFFFF;
	s2 =	simm.s32 @!p0 $0x1C03  }
0x237: {  	[timem:s3], [sflag:s2] =	dma.local @!p0 [hbm:s0], s1  }
0x238: {  	s0 =	simm.s32 @!p0 $0x3  }
0x239: {  	_ =	swait.ge @!p0 [sflag:s0], s1  }
0x23a: {  	s1 =	ssub.s32 @!p0 $0x0, s1;
	[sflag:s0] =	ssyncset.done @!p0 $0x0  }
0x23b: {  	[sflag:s0] =	ssyncadd.s32 @!p0 s1  }
0x23c: {  	[bflag:$0x3] =	sbarrier.arrive $0xFFFF  }
0x23d: {  	_ =	shalt  }

</sc_bundles>
